<compile_context>
chip_gen: v7x
topology: tpu7x:2x2x1
jax: 0.10.2.dev20260603
libtpu: 0.0.44.dev20260713+nightly
codegen_flags: <defaults>
</compile_context>

<pallas_src>
import functools
import math

import jax
import jax.numpy as jnp
from jax import lax
from jax.experimental import pallas as pl
from jax.experimental.pallas import tpu as pltpu
from jax.experimental.pallas import tpu_sc as plsc

D_MODEL = 128
SCALE = math.sqrt(float(D_MODEL))

NC = 2
NS = 16
NW = NC * NS

CHUNK = 128
NBUF = 5
LANES = 16


def _make_gather(n_idx):
    assert n_idx % (NW * CHUNK * NBUF) == 0
    steps = n_idx // (NW * CHUNK)
    ngroups = steps // NBUF
    vecs_per_row = D_MODEL // LANES
    mesh = plsc.VectorSubcoreMesh(
        core_axis_name="c", subcore_axis_name="s",
        num_cores=NC, num_subcores=NS)

    @functools.partial(
        pl.kernel,
        out_type=jax.ShapeDtypeStruct((n_idx, D_MODEL), jnp.float32),
        mesh=mesh,
        scratch_types=(
            [pltpu.VMEM((steps, CHUNK), jnp.int32)]
            + [pltpu.VMEM((CHUNK, D_MODEL), jnp.float32)] * NBUF
            + [pltpu.SemaphoreType.DMA] * (2 * NBUF + 1)
        ),
    )
    def gather(idx_hbm, table_hbm, out_hbm, idx_v, *bufs_and_sems):
        rows = bufs_and_sems[:NBUF]
        gsem = bufs_and_sems[NBUF:2 * NBUF]
        ssem = bufs_and_sems[2 * NBUF:3 * NBUF]
        isem = bufs_and_sems[3 * NBUF]
        wid = lax.axis_index("s") * NC + lax.axis_index("c")
        base = wid * steps

        pltpu.async_copy(idx_hbm.at[pl.ds(base, steps)], idx_v, isem).wait()

        def fire_gather(j, b):
            pltpu.async_copy(table_hbm.at[idx_v.at[j]], rows[b], gsem[b])

        def fire_store(j, b):
            pltpu.async_copy(
                rows[b], out_hbm.at[pl.ds((base + j) * CHUNK, CHUNK)], ssem[b])

        def wait_gather(j, b):
            pltpu.make_async_copy(
                table_hbm.at[idx_v.at[j]], rows[b], gsem[b]).wait()

        def wait_store(j, b):
            pltpu.make_async_copy(
                rows[b], out_hbm.at[pl.ds((base + j) * CHUNK, CHUNK)],
                ssem[b]).wait()

        def scale_buf(b):
            buf = rows[b]

            @plsc.parallel_loop(0, CHUNK, 1, unroll=4)
            def _(r):
                for u in range(vecs_per_row):
                    sl = pl.ds(u * LANES, LANES)
                    buf[r, sl] = buf[r, sl] * SCALE

        for b in range(NBUF):
            fire_gather(b, b)

        def group(g, carry):
            j0 = g * NBUF
            for b in range(NBUF):
                wait_gather(j0 + b, b)
                scale_buf(b)
                fire_store(j0 + b, b)

            @pl.when(g < ngroups - 1)
            def _():
                for b in range(NBUF):
                    wait_store(j0 + b, b)
                    fire_gather(j0 + NBUF + b, b)

            return carry

        lax.fori_loop(0, ngroups, group, 0)
        j_last = (ngroups - 1) * NBUF
        for b in range(NBUF):
            wait_store(j_last + b, b)

    return gather


def kernel(x, lut):
    b0, b1 = x.shape
    n_idx = b0 * b1
    idx = x.reshape(n_idx // CHUNK, CHUNK).astype(jnp.int32)
    out = _make_gather(n_idx)(idx, lut)
    return out.reshape(b0, b1, D_MODEL)

# --- scband reference (transcript-rebuilt; emitter-appended) ---
"""Pipeline reference for scband-embeddings-75746043232563 (READ-ONLY COPY).

The authoritative reference and input builder live on the scoring server;
editing this copy changes nothing except your own understanding.
"""

import math
import jax, jax.numpy as jnp
import numpy as np

D_MODEL = 128
VOCAB = 100000

def setup_inputs(seed: int = 0) -> dict:
    key = jax.random.key(seed)
    k1, k2 = jax.random.split(key)
    x = jax.random.randint(k1, (4096, 200), 0, VOCAB, dtype=jnp.int64 if jax.config.jax_enable_x64 else jnp.int32)
    lut = jax.random.normal(k2, (VOCAB, D_MODEL), dtype=jnp.float32)
    return {"x": x, "lut": lut}

def reference(x, lut):
    # Embedding lookup followed by scale by sqrt(d_model)
    emb = jnp.take(lut, x, axis=0)
    return emb * math.sqrt(D_MODEL)

if __name__ == "__main__":
    import jax
    _d = setup_inputs()
    print(jax.jit(kernel)(*tuple(_d.values())))

</pallas_src>

<mosaic_0001>
#map = affine_map<(d0, d1) -> (0, 0)>
module attributes {stable_mosaic.version = 14 : i64} {
  func.func @gather(%arg0: i32, %arg1: i32, %arg2: memref<6400x128xi32, #tpu.memory_space<hbm>>, %arg3: memref<100000x128xf32, #tpu.memory_space<hbm>>, %arg4: memref<819200x128xf32, #tpu.memory_space<hbm>>, %arg5: memref<200x128xi32, #tpu.memory_space<vmem>>, %arg6: memref<128x128xf32, #tpu.memory_space<vmem>>, %arg7: memref<128x128xf32, #tpu.memory_space<vmem>>, %arg8: memref<128x128xf32, #tpu.memory_space<vmem>>, %arg9: memref<128x128xf32, #tpu.memory_space<vmem>>, %arg10: memref<128x128xf32, #tpu.memory_space<vmem>>, %arg11: memref<!tpu.dma_semaphore, #tpu.memory_space<semaphore_mem>>, %arg12: memref<!tpu.dma_semaphore, #tpu.memory_space<semaphore_mem>>, %arg13: memref<!tpu.dma_semaphore, #tpu.memory_space<semaphore_mem>>, %arg14: memref<!tpu.dma_semaphore, #tpu.memory_space<semaphore_mem>>, %arg15: memref<!tpu.dma_semaphore, #tpu.memory_space<semaphore_mem>>, %arg16: memref<!tpu.dma_semaphore, #tpu.memory_space<semaphore_mem>>, %arg17: memref<!tpu.dma_semaphore, #tpu.memory_space<semaphore_mem>>, %arg18: memref<!tpu.dma_semaphore, #tpu.memory_space<semaphore_mem>>, %arg19: memref<!tpu.dma_semaphore, #tpu.memory_space<semaphore_mem>>, %arg20: memref<!tpu.dma_semaphore, #tpu.memory_space<semaphore_mem>>, %arg21: memref<!tpu.dma_semaphore, #tpu.memory_space<semaphore_mem>>) attributes {dimension_semantics = [#tpu.dimension_semantics<core_parallel>, #tpu.dimension_semantics<subcore_parallel>], iteration_bounds = array<i64: 2, 16>, scalar_prefetch = 0 : i64, scratch_operands = 17 : i64, tpu.core_type = #tpu.core_type<sc_vector_subcore>, window_params = [{transform_indices = #map}, {transform_indices = #map}, {transform_indices = #map}]} {
    %mul3A = arith.constant 2 : i32
    %mul3A_0 = arith.muli %arg1, %mul3A : i32
    %add3A = arith.addi %mul3A_0, %arg0 : i32
    %mul3A_1 = arith.constant 200 : i32
    %mul3A_2 = arith.muli %add3A, %mul3A_1 : i32
    %dma_start3A = arith.constant 0 : i32
    %dma_start3A_3 = tpu.memref_slice %arg2[%mul3A_2, %dma_start3A] : memref<6400x128xi32, #tpu.memory_space<hbm>> -> memref<200x128xi32, #tpu.memory_space<hbm>>
    %dma_start3A_4 = arith.constant 0 : i32
    %dma_start3A_5 = tpu.memref_slice %arg2[%mul3A_2, %dma_start3A_4] : memref<6400x128xi32, #tpu.memory_space<hbm>> -> memref<200x128xi32, #tpu.memory_space<hbm>>
    tpu.enqueue_dma source(%dma_start3A_5 : memref<200x128xi32, #tpu.memory_space<hbm>>) target(%arg5 : memref<200x128xi32, #tpu.memory_space<vmem>>) target_semaphore(%arg21 : memref<!tpu.dma_semaphore, #tpu.memory_space<semaphore_mem>>)
    %dma_wait3A = arith.constant 0 : i32
    %dma_wait3A_6 = tpu.memref_slice %arg2[%mul3A_2, %dma_wait3A] : memref<6400x128xi32, #tpu.memory_space<hbm>> -> memref<200x128xi32, #tpu.memory_space<hbm>>
    %dma_wait3A_7 = arith.constant 0 : i32
    %dma_wait3A_8 = tpu.memref_slice %arg2[%mul3A_2, %dma_wait3A_7] : memref<6400x128xi32, #tpu.memory_space<hbm>> -> memref<200x128xi32, #tpu.memory_space<hbm>>
    tpu.wait_dma2 semaphore(%arg21 : memref<!tpu.dma_semaphore, #tpu.memory_space<semaphore_mem>>) src(%dma_wait3A_8 : memref<200x128xi32, #tpu.memory_space<hbm>>) dst(%arg5 : memref<200x128xi32, #tpu.memory_space<vmem>>)
    %dma_start3A_9 = arith.constant 0 : i32
    %dma_start3A_10 = arith.constant 0 : i32
    %dma_start3A_11 = tpu.memref_slice %arg5[%dma_start3A_9, %dma_start3A_10] : memref<200x128xi32, #tpu.memory_space<vmem>> -> memref<1x128xi32, #tpu.memory_space<vmem>>
    %dma_start3A_12 = tpu.memref_squeeze %dma_start3A_11 : memref<1x128xi32, #tpu.memory_space<vmem>> -> memref<128xi32, #tpu.memory_space<vmem>>
    %dma_start3A_13 = arith.constant 0 : i32
    %dma_start3A_14 = arith.constant 0 : i32
    %dma_start3A_15 = tpu.memref_slice %arg3[%dma_start3A_13, %dma_start3A_14] : memref<100000x128xf32, #tpu.memory_space<hbm>> -> memref<100000x128xf32, #tpu.memory_space<hbm>>
    tpu.enqueue_indirect_dma source(%dma_start3A_15 : memref<100000x128xf32, #tpu.memory_space<hbm>>) target(%arg6 : memref<128x128xf32, #tpu.memory_space<vmem>>) offsets(%dma_start3A_12 : memref<128xi32, #tpu.memory_space<vmem>>) semaphore(%arg11 : memref<!tpu.dma_semaphore, #tpu.memory_space<semaphore_mem>>)
    %dma_start3A_16 = arith.constant 1 : i32
    %dma_start3A_17 = arith.constant 0 : i32
    %dma_start3A_18 = tpu.memref_slice %arg5[%dma_start3A_16, %dma_start3A_17] : memref<200x128xi32, #tpu.memory_space<vmem>> -> memref<1x128xi32, #tpu.memory_space<vmem>>
    %dma_start3A_19 = tpu.memref_squeeze %dma_start3A_18 : memref<1x128xi32, #tpu.memory_space<vmem>> -> memref<128xi32, #tpu.memory_space<vmem>>
    %dma_start3A_20 = arith.constant 0 : i32
    %dma_start3A_21 = arith.constant 0 : i32
    %dma_start3A_22 = tpu.memref_slice %arg3[%dma_start3A_20, %dma_start3A_21] : memref<100000x128xf32, #tpu.memory_space<hbm>> -> memref<100000x128xf32, #tpu.memory_space<hbm>>
    tpu.enqueue_indirect_dma source(%dma_start3A_22 : memref<100000x128xf32, #tpu.memory_space<hbm>>) target(%arg7 : memref<128x128xf32, #tpu.memory_space<vmem>>) offsets(%dma_start3A_19 : memref<128xi32, #tpu.memory_space<vmem>>) semaphore(%arg12 : memref<!tpu.dma_semaphore, #tpu.memory_space<semaphore_mem>>)
    %dma_start3A_23 = arith.constant 2 : i32
    %dma_start3A_24 = arith.constant 0 : i32
    %dma_start3A_25 = tpu.memref_slice %arg5[%dma_start3A_23, %dma_start3A_24] : memref<200x128xi32, #tpu.memory_space<vmem>> -> memref<1x128xi32, #tpu.memory_space<vmem>>
    %dma_start3A_26 = tpu.memref_squeeze %dma_start3A_25 : memref<1x128xi32, #tpu.memory_space<vmem>> -> memref<128xi32, #tpu.memory_space<vmem>>
    %dma_start3A_27 = arith.constant 0 : i32
    %dma_start3A_28 = arith.constant 0 : i32
    %dma_start3A_29 = tpu.memref_slice %arg3[%dma_start3A_27, %dma_start3A_28] : memref<100000x128xf32, #tpu.memory_space<hbm>> -> memref<100000x128xf32, #tpu.memory_space<hbm>>
    tpu.enqueue_indirect_dma source(%dma_start3A_29 : memref<100000x128xf32, #tpu.memory_space<hbm>>) target(%arg8 : memref<128x128xf32, #tpu.memory_space<vmem>>) offsets(%dma_start3A_26 : memref<128xi32, #tpu.memory_space<vmem>>) semaphore(%arg13 : memref<!tpu.dma_semaphore, #tpu.memory_space<semaphore_mem>>)
    %dma_start3A_30 = arith.constant 3 : i32
    %dma_start3A_31 = arith.constant 0 : i32
    %dma_start3A_32 = tpu.memref_slice %arg5[%dma_start3A_30, %dma_start3A_31] : memref<200x128xi32, #tpu.memory_space<vmem>> -> memref<1x128xi32, #tpu.memory_space<vmem>>
    %dma_start3A_33 = tpu.memref_squeeze %dma_start3A_32 : memref<1x128xi32, #tpu.memory_space<vmem>> -> memref<128xi32, #tpu.memory_space<vmem>>
    %dma_start3A_34 = arith.constant 0 : i32
    %dma_start3A_35 = arith.constant 0 : i32
    %dma_start3A_36 = tpu.memref_slice %arg3[%dma_start3A_34, %dma_start3A_35] : memref<100000x128xf32, #tpu.memory_space<hbm>> -> memref<100000x128xf32, #tpu.memory_space<hbm>>
    tpu.enqueue_indirect_dma source(%dma_start3A_36 : memref<100000x128xf32, #tpu.memory_space<hbm>>) target(%arg9 : memref<128x128xf32, #tpu.memory_space<vmem>>) offsets(%dma_start3A_33 : memref<128xi32, #tpu.memory_space<vmem>>) semaphore(%arg14 : memref<!tpu.dma_semaphore, #tpu.memory_space<semaphore_mem>>)
    %dma_start3A_37 = arith.constant 4 : i32
    %dma_start3A_38 = arith.constant 0 : i32
    %dma_start3A_39 = tpu.memref_slice %arg5[%dma_start3A_37, %dma_start3A_38] : memref<200x128xi32, #tpu.memory_space<vmem>> -> memref<1x128xi32, #tpu.memory_space<vmem>>
    %dma_start3A_40 = tpu.memref_squeeze %dma_start3A_39 : memref<1x128xi32, #tpu.memory_space<vmem>> -> memref<128xi32, #tpu.memory_space<vmem>>
    %dma_start3A_41 = arith.constant 0 : i32
    %dma_start3A_42 = arith.constant 0 : i32
    %dma_start3A_43 = tpu.memref_slice %arg3[%dma_start3A_41, %dma_start3A_42] : memref<100000x128xf32, #tpu.memory_space<hbm>> -> memref<100000x128xf32, #tpu.memory_space<hbm>>
    tpu.enqueue_indirect_dma source(%dma_start3A_43 : memref<100000x128xf32, #tpu.memory_space<hbm>>) target(%arg10 : memref<128x128xf32, #tpu.memory_space<vmem>>) offsets(%dma_start3A_40 : memref<128xi32, #tpu.memory_space<vmem>>) semaphore(%arg15 : memref<!tpu.dma_semaphore, #tpu.memory_space<semaphore_mem>>)
    %scan3A = arith.constant 0 : i32
    %scan3A_44 = arith.constant 0 : i32
    %scan3A_45 = arith.constant 40 : i32
    %scan3A_46 = arith.addi %scan3A_44, %scan3A_45 : i32
    %scan3A_47 = arith.constant 1 : i32
    scf.for %scan3A_89 = %scan3A_44 to %scan3A_46 step %scan3A_47  : i32 {
      %mul3A_90 = arith.constant 5 : i32
      %mul3A_91 = arith.muli %scan3A_89, %mul3A_90 : i32
      %add3A_92 = arith.constant 0 : i32
      %add3A_93 = arith.addi %mul3A_91, %add3A_92 : i32
      %dma_wait3A_94 = arith.constant 0 : i32
      %dma_wait3A_95 = tpu.memref_slice %arg5[%add3A_93, %dma_wait3A_94] : memref<200x128xi32, #tpu.memory_space<vmem>> -> memref<1x128xi32, #tpu.memory_space<vmem>>
      %dma_wait3A_96 = tpu.memref_squeeze %dma_wait3A_95 : memref<1x128xi32, #tpu.memory_space<vmem>> -> memref<128xi32, #tpu.memory_space<vmem>>
      %dma_wait3A_97 = arith.constant 0 : i32
      %dma_wait3A_98 = arith.constant 0 : i32
      %dma_wait3A_99 = tpu.memref_slice %arg3[%dma_wait3A_97, %dma_wait3A_98] : memref<100000x128xf32, #tpu.memory_space<hbm>> -> memref<100000x128xf32, #tpu.memory_space<hbm>>
      tpu.wait_indirect_dma semaphore(%arg11 : memref<!tpu.dma_semaphore, #tpu.memory_space<semaphore_mem>>) src(%dma_wait3A_99 : memref<100000x128xf32, #tpu.memory_space<hbm>>) dst(%arg6 : memref<128x128xf32, #tpu.memory_space<vmem>>)
      %parallel_loop3A = arith.constant 0 : i32
      %parallel_loop3A_100 = arith.constant 128 : i32
      %parallel_loop3A_101 = arith.constant 1 : i32
      scf.for %parallel_loop3A_193 = %parallel_loop3A to %parallel_loop3A_100 step %parallel_loop3A_101  : i32 {
        %parallel_loop3A_194 = arith.index_cast %parallel_loop3A_193 : i32 to index
        %parallel_loop3A_195 = arith.constant 0 : index
        %parallel_loop3A_196 = tpu.vector_load %arg6[%parallel_loop3A_194, %parallel_loop3A_195] {strides = array<i32>} : memref<128x128xf32, #tpu.memory_space<vmem>>, vector<1x16xf32>,
        %parallel_loop3A_197 = vector.shape_cast %parallel_loop3A_196 : vector<1x16xf32> to vector<16xf32>
        %parallel_loop3A_198 = arith.constant 11.3137083 : f32
        %parallel_loop3A_199 = vector.broadcast %parallel_loop3A_198 : f32 to vector<16xf32>
        %parallel_loop3A_200 = arith.mulf %parallel_loop3A_197, %parallel_loop3A_199 : vector<16xf32>
        %parallel_loop3A_201 = arith.index_cast %parallel_loop3A_193 : i32 to index
        %parallel_loop3A_202 = arith.constant 0 : index
        %parallel_loop3A_203 = tpu.vector_load %arg6[%parallel_loop3A_201, %parallel_loop3A_202] {strides = array<i32>} : memref<128x128xf32, #tpu.memory_space<vmem>>, vector<1x16xf32>,
        %parallel_loop3A_204 = vector.shape_cast %parallel_loop3A_203 : vector<1x16xf32> to vector<16xf32>
        %parallel_loop3A_205 = vector.shape_cast %parallel_loop3A_200 : vector<16xf32> to vector<1x16xf32>
        tpu.vector_store %arg6[%parallel_loop3A_201, %parallel_loop3A_202], %parallel_loop3A_205 {strides = array<i32>} : memref<128x128xf32, #tpu.memory_space<vmem>>, vector<1x16xf32>,
        %parallel_loop3A_206 = arith.index_cast %parallel_loop3A_193 : i32 to index
        %parallel_loop3A_207 = arith.constant 16 : index
        %parallel_loop3A_208 = tpu.vector_load %arg6[%parallel_loop3A_206, %parallel_loop3A_207] {strides = array<i32>} : memref<128x128xf32, #tpu.memory_space<vmem>>, vector<1x16xf32>,
        %parallel_loop3A_209 = vector.shape_cast %parallel_loop3A_208 : vector<1x16xf32> to vector<16xf32>
        %parallel_loop3A_210 = arith.constant 11.3137083 : f32
        %parallel_loop3A_211 = vector.broadcast %parallel_loop3A_210 : f32 to vector<16xf32>
        %parallel_loop3A_212 = arith.mulf %parallel_loop3A_209, %parallel_loop3A_211 : vector<16xf32>
        %parallel_loop3A_213 = arith.index_cast %parallel_loop3A_193 : i32 to index
        %parallel_loop3A_214 = arith.constant 16 : index
        %parallel_loop3A_215 = tpu.vector_load %arg6[%parallel_loop3A_213, %parallel_loop3A_214] {strides = array<i32>} : memref<128x128xf32, #tpu.memory_space<vmem>>, vector<1x16xf32>,
        %parallel_loop3A_216 = vector.shape_cast %parallel_loop3A_215 : vector<1x16xf32> to vector<16xf32>
        %parallel_loop3A_217 = vector.shape_cast %parallel_loop3A_212 : vector<16xf32> to vector<1x16xf32>
        tpu.vector_store %arg6[%parallel_loop3A_213, %parallel_loop3A_214], %parallel_loop3A_217 {strides = array<i32>} : memref<128x128xf32, #tpu.memory_space<vmem>>, vector<1x16xf32>,
        %parallel_loop3A_218 = arith.index_cast %parallel_loop3A_193 : i32 to index
        %parallel_loop3A_219 = arith.constant 32 : index
        %parallel_loop3A_220 = tpu.vector_load %arg6[%parallel_loop3A_218, %parallel_loop3A_219] {strides = array<i32>} : memref<128x128xf32, #tpu.memory_space<vmem>>, vector<1x16xf32>,
        %parallel_loop3A_221 = vector.shape_cast %parallel_loop3A_220 : vector<1x16xf32> to vector<16xf32>
        %parallel_loop3A_222 = arith.constant 11.3137083 : f32
        %parallel_loop3A_223 = vector.broadcast %parallel_loop3A_222 : f32 to vector<16xf32>
        %parallel_loop3A_224 = arith.mulf %parallel_loop3A_221, %parallel_loop3A_223 : vector<16xf32>
        %parallel_loop3A_225 = arith.index_cast %parallel_loop3A_193 : i32 to index
        %parallel_loop3A_226 = arith.constant 32 : index
        %parallel_loop3A_227 = tpu.vector_load %arg6[%parallel_loop3A_225, %parallel_loop3A_226] {strides = array<i32>} : memref<128x128xf32, #tpu.memory_space<vmem>>, vector<1x16xf32>,
        %parallel_loop3A_228 = vector.shape_cast %parallel_loop3A_227 : vector<1x16xf32> to vector<16xf32>
        %parallel_loop3A_229 = vector.shape_cast %parallel_loop3A_224 : vector<16xf32> to vector<1x16xf32>
        tpu.vector_store %arg6[%parallel_loop3A_225, %parallel_loop3A_226], %parallel_loop3A_229 {strides = array<i32>} : memref<128x128xf32, #tpu.memory_space<vmem>>, vector<1x16xf32>,
        %parallel_loop3A_230 = arith.index_cast %parallel_loop3A_193 : i32 to index
        %parallel_loop3A_231 = arith.constant 48 : index
        %parallel_loop3A_232 = tpu.vector_load %arg6[%parallel_loop3A_230, %parallel_loop3A_231] {strides = array<i32>} : memref<128x128xf32, #tpu.memory_space<vmem>>, vector<1x16xf32>,
        %parallel_loop3A_233 = vector.shape_cast %parallel_loop3A_232 : vector<1x16xf32> to vector<16xf32>
        %parallel_loop3A_234 = arith.constant 11.3137083 : f32
        %parallel_loop3A_235 = vector.broadcast %parallel_loop3A_234 : f32 to vector<16xf32>
        %parallel_loop3A_236 = arith.mulf %parallel_loop3A_233, %parallel_loop3A_235 : vector<16xf32>
        %parallel_loop3A_237 = arith.index_cast %parallel_loop3A_193 : i32 to index
        %parallel_loop3A_238 = arith.constant 48 : index
        %parallel_loop3A_239 = tpu.vector_load %arg6[%parallel_loop3A_237, %parallel_loop3A_238] {strides = array<i32>} : memref<128x128xf32, #tpu.memory_space<vmem>>, vector<1x16xf32>,
        %parallel_loop3A_240 = vector.shape_cast %parallel_loop3A_239 : vector<1x16xf32> to vector<16xf32>
        %parallel_loop3A_241 = vector.shape_cast %parallel_loop3A_236 : vector<16xf32> to vector<1x16xf32>
        tpu.vector_store %arg6[%parallel_loop3A_237, %parallel_loop3A_238], %parallel_loop3A_241 {strides = array<i32>} : memref<128x128xf32, #tpu.memory_space<vmem>>, vector<1x16xf32>,
        %parallel_loop3A_242 = arith.index_cast %parallel_loop3A_193 : i32 to index
        %parallel_loop3A_243 = arith.constant 64 : index
        %parallel_loop3A_244 = tpu.vector_load %arg6[%parallel_loop3A_242, %parallel_loop3A_243] {strides = array<i32>} : memref<128x128xf32, #tpu.memory_space<vmem>>, vector<1x16xf32>,
        %parallel_loop3A_245 = vector.shape_cast %parallel_loop3A_244 : vector<1x16xf32> to vector<16xf32>
        %parallel_loop3A_246 = arith.constant 11.3137083 : f32
        %parallel_loop3A_247 = vector.broadcast %parallel_loop3A_246 : f32 to vector<16xf32>
        %parallel_loop3A_248 = arith.mulf %parallel_loop3A_245, %parallel_loop3A_247 : vector<16xf32>
        %parallel_loop3A_249 = arith.index_cast %parallel_loop3A_193 : i32 to index
        %parallel_loop3A_250 = arith.constant 64 : index
        %parallel_loop3A_251 = tpu.vector_load %arg6[%parallel_loop3A_249, %parallel_loop3A_250] {strides = array<i32>} : memref<128x128xf32, #tpu.memory_space<vmem>>, vector<1x16xf32>,
        %parallel_loop3A_252 = vector.shape_cast %parallel_loop3A_251 : vector<1x16xf32> to vector<16xf32>
        %parallel_loop3A_253 = vector.shape_cast %parallel_loop3A_248 : vector<16xf32> to vector<1x16xf32>
        tpu.vector_store %arg6[%parallel_loop3A_249, %parallel_loop3A_250], %parallel_loop3A_253 {strides = array<i32>} : memref<128x128xf32, #tpu.memory_space<vmem>>, vector<1x16xf32>,
        %parallel_loop3A_254 = arith.index_cast %parallel_loop3A_193 : i32 to index
        %parallel_loop3A_255 = arith.constant 80 : index
        %parallel_loop3A_256 = tpu.vector_load %arg6[%parallel_loop3A_254, %parallel_loop3A_255] {strides = array<i32>} : memref<128x128xf32, #tpu.memory_space<vmem>>, vector<1x16xf32>,
        %parallel_loop3A_257 = vector.shape_cast %parallel_loop3A_256 : vector<1x16xf32> to vector<16xf32>
        %parallel_loop3A_258 = arith.constant 11.3137083 : f32
        %parallel_loop3A_259 = vector.broadcast %parallel_loop3A_258 : f32 to vector<16xf32>
        %parallel_loop3A_260 = arith.mulf %parallel_loop3A_257, %parallel_loop3A_259 : vector<16xf32>
        %parallel_loop3A_261 = arith.index_cast %parallel_loop3A_193 : i32 to index
        %parallel_loop3A_262 = arith.constant 80 : index
        %parallel_loop3A_263 = tpu.vector_load %arg6[%parallel_loop3A_261, %parallel_loop3A_262] {strides = array<i32>} : memref<128x128xf32, #tpu.memory_space<vmem>>, vector<1x16xf32>,
        %parallel_loop3A_264 = vector.shape_cast %parallel_loop3A_263 : vector<1x16xf32> to vector<16xf32>
        %parallel_loop3A_265 = vector.shape_cast %parallel_loop3A_260 : vector<16xf32> to vector<1x16xf32>
        tpu.vector_store %arg6[%parallel_loop3A_261, %parallel_loop3A_262], %parallel_loop3A_265 {strides = array<i32>} : memref<128x128xf32, #tpu.memory_space<vmem>>, vector<1x16xf32>,
        %parallel_loop3A_266 = arith.index_cast %parallel_loop3A_193 : i32 to index
        %parallel_loop3A_267 = arith.constant 96 : index
        %parallel_loop3A_268 = tpu.vector_load %arg6[%parallel_loop3A_266, %parallel_loop3A_267] {strides = array<i32>} : memref<128x128xf32, #tpu.memory_space<vmem>>, vector<1x16xf32>,
        %parallel_loop3A_269 = vector.shape_cast %parallel_loop3A_268 : vector<1x16xf32> to vector<16xf32>
        %parallel_loop3A_270 = arith.constant 11.3137083 : f32
        %parallel_loop3A_271 = vector.broadcast %parallel_loop3A_270 : f32 to vector<16xf32>
        %parallel_loop3A_272 = arith.mulf %parallel_loop3A_269, %parallel_loop3A_271 : vector<16xf32>
        %parallel_loop3A_273 = arith.index_cast %parallel_loop3A_193 : i32 to index
        %parallel_loop3A_274 = arith.constant 96 : index
        %parallel_loop3A_275 = tpu.vector_load %arg6[%parallel_loop3A_273, %parallel_loop3A_274] {strides = array<i32>} : memref<128x128xf32, #tpu.memory_space<vmem>>, vector<1x16xf32>,
        %parallel_loop3A_276 = vector.shape_cast %parallel_loop3A_275 : vector<1x16xf32> to vector<16xf32>
        %parallel_loop3A_277 = vector.shape_cast %parallel_loop3A_272 : vector<16xf32> to vector<1x16xf32>
        tpu.vector_store %arg6[%parallel_loop3A_273, %parallel_loop3A_274], %parallel_loop3A_277 {strides = array<i32>} : memref<128x128xf32, #tpu.memory_space<vmem>>, vector<1x16xf32>,
        %parallel_loop3A_278 = arith.index_cast %parallel_loop3A_193 : i32 to index
        %parallel_loop3A_279 = arith.constant 112 : index
        %parallel_loop3A_280 = tpu.vector_load %arg6[%parallel_loop3A_278, %parallel_loop3A_279] {strides = array<i32>} : memref<128x128xf32, #tpu.memory_space<vmem>>, vector<1x16xf32>,
        %parallel_loop3A_281 = vector.shape_cast %parallel_loop3A_280 : vector<1x16xf32> to vector<16xf32>
        %parallel_loop3A_282 = arith.constant 11.3137083 : f32
        %parallel_loop3A_283 = vector.broadcast %parallel_loop3A_282 : f32 to vector<16xf32>
        %parallel_loop3A_284 = arith.mulf %parallel_loop3A_281, %parallel_loop3A_283 : vector<16xf32>
        %parallel_loop3A_285 = arith.index_cast %parallel_loop3A_193 : i32 to index
        %parallel_loop3A_286 = arith.constant 112 : index
        %parallel_loop3A_287 = tpu.vector_load %arg6[%parallel_loop3A_285, %parallel_loop3A_286] {strides = array<i32>} : memref<128x128xf32, #tpu.memory_space<vmem>>, vector<1x16xf32>,
        %parallel_loop3A_288 = vector.shape_cast %parallel_loop3A_287 : vector<1x16xf32> to vector<16xf32>
        %parallel_loop3A_289 = vector.shape_cast %parallel_loop3A_284 : vector<16xf32> to vector<1x16xf32>
        tpu.vector_store %arg6[%parallel_loop3A_285, %parallel_loop3A_286], %parallel_loop3A_289 {strides = array<i32>} : memref<128x128xf32, #tpu.memory_space<vmem>>, vector<1x16xf32>,
      } {sc.loop_unroll_factor = 4 : i64, sc.parallel_access}
      %add3A_102 = arith.constant 0 : i32
      %add3A_103 = arith.addi %mul3A_91, %add3A_102 : i32
      %add3A_104 = arith.addi %mul3A_2, %add3A_103 : i32
      %mul3A_105 = arith.constant 128 : i32
      %mul3A_106 = arith.muli %add3A_104, %mul3A_105 : i32
      %dma_start3A_107 = arith.constant 0 : i32
      %dma_start3A_108 = tpu.memref_slice %arg4[%mul3A_106, %dma_start3A_107] : memref<819200x128xf32, #tpu.memory_space<hbm>> -> memref<128x128xf32, #tpu.memory_space<hbm>>
      %dma_start3A_109 = arith.constant 0 : i32
      %dma_start3A_110 = tpu.memref_slice %arg4[%mul3A_106, %dma_start3A_109] : memref<819200x128xf32, #tpu.memory_space<hbm>> -> memref<128x128xf32, #tpu.memory_space<hbm>>
      tpu.enqueue_dma source(%arg6 : memref<128x128xf32, #tpu.memory_space<vmem>>) target(%dma_start3A_110 : memref<128x128xf32, #tpu.memory_space<hbm>>) target_semaphore(%arg16 : memref<!tpu.dma_semaphore, #tpu.memory_space<semaphore_mem>>)
      %add3A_111 = arith.constant 1 : i32
      %add3A_112 = arith.addi %mul3A_91, %add3A_111 : i32
      %dma_wait3A_113 = arith.constant 0 : i32
      %dma_wait3A_114 = tpu.memref_slice %arg5[%add3A_112, %dma_wait3A_113] : memref<200x128xi32, #tpu.memory_space<vmem>> -> memref<1x128xi32, #tpu.memory_space<vmem>>
      %dma_wait3A_115 = tpu.memref_squeeze %dma_wait3A_114 : memref<1x128xi32, #tpu.memory_space<vmem>> -> memref<128xi32, #tpu.memory_space<vmem>>
      %dma_wait3A_116 = arith.constant 0 : i32
      %dma_wait3A_117 = arith.constant 0 : i32
      %dma_wait3A_118 = tpu.memref_slice %arg3[%dma_wait3A_116, %dma_wait3A_117] : memref<100000x128xf32, #tpu.memory_space<hbm>> -> memref<100000x128xf32, #tpu.memory_space<hbm>>
      tpu.wait_indirect_dma semaphore(%arg12 : memref<!tpu.dma_semaphore, #tpu.memory_space<semaphore_mem>>) src(%dma_wait3A_118 : memref<100000x128xf32, #tpu.memory_space<hbm>>) dst(%arg7 : memref<128x128xf32, #tpu.memory_space<vmem>>)
      %parallel_loop3A_119 = arith.constant 0 : i32
      %parallel_loop3A_120 = arith.constant 128 : i32
      %parallel_loop3A_121 = arith.constant 1 : i32
      scf.for %parallel_loop3A_193 = %parallel_loop3A_119 to %parallel_loop3A_120 step %parallel_loop3A_121  : i32 {
        %parallel_loop3A_194 = arith.index_cast %parallel_loop3A_193 : i32 to index
        %parallel_loop3A_195 = arith.constant 0 : index
        %parallel_loop3A_196 = tpu.vector_load %arg7[%parallel_loop3A_194, %parallel_loop3A_195] {strides = array<i32>} : memref<128x128xf32, #tpu.memory_space<vmem>>, vector<1x16xf32>,
        %parallel_loop3A_197 = vector.shape_cast %parallel_loop3A_196 : vector<1x16xf32> to vector<16xf32>
        %parallel_loop3A_198 = arith.constant 11.3137083 : f32
        %parallel_loop3A_199 = vector.broadcast %parallel_loop3A_198 : f32 to vector<16xf32>
        %parallel_loop3A_200 = arith.mulf %parallel_loop3A_197, %parallel_loop3A_199 : vector<16xf32>
        %parallel_loop3A_201 = arith.index_cast %parallel_loop3A_193 : i32 to index
        %parallel_loop3A_202 = arith.constant 0 : index
        %parallel_loop3A_203 = tpu.vector_load %arg7[%parallel_loop3A_201, %parallel_loop3A_202] {strides = array<i32>} : memref<128x128xf32, #tpu.memory_space<vmem>>, vector<1x16xf32>,
        %parallel_loop3A_204 = vector.shape_cast %parallel_loop3A_203 : vector<1x16xf32> to vector<16xf32>
        %parallel_loop3A_205 = vector.shape_cast %parallel_loop3A_200 : vector<16xf32> to vector<1x16xf32>
        tpu.vector_store %arg7[%parallel_loop3A_201, %parallel_loop3A_202], %parallel_loop3A_205 {strides = array<i32>} : memref<128x128xf32, #tpu.memory_space<vmem>>, vector<1x16xf32>,
        %parallel_loop3A_206 = arith.index_cast %parallel_loop3A_193 : i32 to index
        %parallel_loop3A_207 = arith.constant 16 : index
        %parallel_loop3A_208 = tpu.vector_load %arg7[%parallel_loop3A_206, %parallel_loop3A_207] {strides = array<i32>} : memref<128x128xf32, #tpu.memory_space<vmem>>, vector<1x16xf32>,
        %parallel_loop3A_209 = vector.shape_cast %parallel_loop3A_208 : vector<1x16xf32> to vector<16xf32>
        %parallel_loop3A_210 = arith.constant 11.3137083 : f32
        %parallel_loop3A_211 = vector.broadcast %parallel_loop3A_210 : f32 to vector<16xf32>
        %parallel_loop3A_212 = arith.mulf %parallel_loop3A_209, %parallel_loop3A_211 : vector<16xf32>
        %parallel_loop3A_213 = arith.index_cast %parallel_loop3A_193 : i32 to index
        %parallel_loop3A_214 = arith.constant 16 : index
        %parallel_loop3A_215 = tpu.vector_load %arg7[%parallel_loop3A_213, %parallel_loop3A_214] {strides = array<i32>} : memref<128x128xf32, #tpu.memory_space<vmem>>, vector<1x16xf32>,
        %parallel_loop3A_216 = vector.shape_cast %parallel_loop3A_215 : vector<1x16xf32> to vector<16xf32>
        %parallel_loop3A_217 = vector.shape_cast %parallel_loop3A_212 : vector<16xf32> to vector<1x16xf32>
        tpu.vector_store %arg7[%parallel_loop3A_213, %parallel_loop3A_214], %parallel_loop3A_217 {strides = array<i32>} : memref<128x128xf32, #tpu.memory_space<vmem>>, vector<1x16xf32>,
        %parallel_loop3A_218 = arith.index_cast %parallel_loop3A_193 : i32 to index
        %parallel_loop3A_219 = arith.constant 32 : index
        %parallel_loop3A_220 = tpu.vector_load %arg7[%parallel_loop3A_218, %parallel_loop3A_219] {strides = array<i32>} : memref<128x128xf32, #tpu.memory_space<vmem>>, vector<1x16xf32>,
        %parallel_loop3A_221 = vector.shape_cast %parallel_loop3A_220 : vector<1x16xf32> to vector<16xf32>
        %parallel_loop3A_222 = arith.constant 11.3137083 : f32
        %parallel_loop3A_223 = vector.broadcast %parallel_loop3A_222 : f32 to vector<16xf32>
        %parallel_loop3A_224 = arith.mulf %parallel_loop3A_221, %parallel_loop3A_223 : vector<16xf32>
        %parallel_loop3A_225 = arith.index_cast %parallel_loop3A_193 : i32 to index
        %parallel_loop3A_226 = arith.constant 32 : index
        %parallel_loop3A_227 = tpu.vector_load %arg7[%parallel_loop3A_225, %parallel_loop3A_226] {strides = array<i32>} : memref<128x128xf32, #tpu.memory_space<vmem>>, vector<1x16xf32>,
        %parallel_loop3A_228 = vector.shape_cast %parallel_loop3A_227 : vector<1x16xf32> to vector<16xf32>
        %parallel_loop3A_229 = vector.shape_cast %parallel_loop3A_224 : vector<16xf32> to vector<1x16xf32>
        tpu.vector_store %arg7[%parallel_loop3A_225, %parallel_loop3A_226], %parallel_loop3A_229 {strides = array<i32>} : memref<128x128xf32, #tpu.memory_space<vmem>>, vector<1x16xf32>,
        %parallel_loop3A_230 = arith.index_cast %parallel_loop3A_193 : i32 to index
        %parallel_loop3A_231 = arith.constant 48 : index
        %parallel_loop3A_232 = tpu.vector_load %arg7[%parallel_loop3A_230, %parallel_loop3A_231] {strides = array<i32>} : memref<128x128xf32, #tpu.memory_space<vmem>>, vector<1x16xf32>,
        %parallel_loop3A_233 = vector.shape_cast %parallel_loop3A_232 : vector<1x16xf32> to vector<16xf32>
        %parallel_loop3A_234 = arith.constant 11.3137083 : f32
        %parallel_loop3A_235 = vector.broadcast %parallel_loop3A_234 : f32 to vector<16xf32>
        %parallel_loop3A_236 = arith.mulf %parallel_loop3A_233, %parallel_loop3A_235 : vector<16xf32>
        %parallel_loop3A_237 = arith.index_cast %parallel_loop3A_193 : i32 to index
        %parallel_loop3A_238 = arith.constant 48 : index
        %parallel_loop3A_239 = tpu.vector_load %arg7[%parallel_loop3A_237, %parallel_loop3A_238] {strides = array<i32>} : memref<128x128xf32, #tpu.memory_space<vmem>>, vector<1x16xf32>,
        %parallel_loop3A_240 = vector.shape_cast %parallel_loop3A_239 : vector<1x16xf32> to vector<16xf32>
        %parallel_loop3A_241 = vector.shape_cast %parallel_loop3A_236 : vector<16xf32> to vector<1x16xf32>
        tpu.vector_store %arg7[%parallel_loop3A_237, %parallel_loop3A_238], %parallel_loop3A_241 {strides = array<i32>} : memref<128x128xf32, #tpu.memory_space<vmem>>, vector<1x16xf32>,
        %parallel_loop3A_242 = arith.index_cast %parallel_loop3A_193 : i32 to index
        %parallel_loop3A_243 = arith.constant 64 : index
        %parallel_loop3A_244 = tpu.vector_load %arg7[%parallel_loop3A_242, %parallel_loop3A_243] {strides = array<i32>} : memref<128x128xf32, #tpu.memory_space<vmem>>, vector<1x16xf32>,
        %parallel_loop3A_245 = vector.shape_cast %parallel_loop3A_244 : vector<1x16xf32> to vector<16xf32>
        %parallel_loop3A_246 = arith.constant 11.3137083 : f32
        %parallel_loop3A_247 = vector.broadcast %parallel_loop3A_246 : f32 to vector<16xf32>
        %parallel_loop3A_248 = arith.mulf %parallel_loop3A_245, %parallel_loop3A_247 : vector<16xf32>
        %parallel_loop3A_249 = arith.index_cast %parallel_loop3A_193 : i32 to index
        %parallel_loop3A_250 = arith.constant 64 : index
        %parallel_loop3A_251 = tpu.vector_load %arg7[%parallel_loop3A_249, %parallel_loop3A_250] {strides = array<i32>} : memref<128x128xf32, #tpu.memory_space<vmem>>, vector<1x16xf32>,
        %parallel_loop3A_252 = vector.shape_cast %parallel_loop3A_251 : vector<1x16xf32> to vector<16xf32>
        %parallel_loop3A_253 = vector.shape_cast %parallel_loop3A_248 : vector<16xf32> to vector<1x16xf32>
        tpu.vector_store %arg7[%parallel_loop3A_249, %parallel_loop3A_250], %parallel_loop3A_253 {strides = array<i32>} : memref<128x128xf32, #tpu.memory_space<vmem>>, vector<1x16xf32>,
        %parallel_loop3A_254 = arith.index_cast %parallel_loop3A_193 : i32 to index
        %parallel_loop3A_255 = arith.constant 80 : index
        %parallel_loop3A_256 = tpu.vector_load %arg7[%parallel_loop3A_254, %parallel_loop3A_255] {strides = array<i32>} : memref<128x128xf32, #tpu.memory_space<vmem>>, vector<1x16xf32>,
        %parallel_loop3A_257 = vector.shape_cast %parallel_loop3A_256 : vector<1x16xf32> to vector<16xf32>
        %parallel_loop3A_258 = arith.constant 11.3137083 : f32
        %parallel_loop3A_259 = vector.broadcast %parallel_loop3A_258 : f32 to vector<16xf32>
        %parallel_loop3A_260 = arith.mulf %parallel_loop3A_257, %parallel_loop3A_259 : vector<16xf32>
        %parallel_loop3A_261 = arith.index_cast %parallel_loop3A_193 : i32 to index
        %parallel_loop3A_262 = arith.constant 80 : index
        %parallel_loop3A_263 = tpu.vector_load %arg7[%parallel_loop3A_261, %parallel_loop3A_262] {strides = array<i32>} : memref<128x128xf32, #tpu.memory_space<vmem>>, vector<1x16xf32>,
        %parallel_loop3A_264 = vector.shape_cast %parallel_loop3A_263 : vector<1x16xf32> to vector<16xf32>
        %parallel_loop3A_265 = vector.shape_cast %parallel_loop3A_260 : vector<16xf32> to vector<1x16xf32>
        tpu.vector_store %arg7[%parallel_loop3A_261, %parallel_loop3A_262], %parallel_loop3A_265 {strides = array<i32>} : memref<128x128xf32, #tpu.memory_space<vmem>>, vector<1x16xf32>,
        %parallel_loop3A_266 = arith.index_cast %parallel_loop3A_193 : i32 to index
        %parallel_loop3A_267 = arith.constant 96 : index
        %parallel_loop3A_268 = tpu.vector_load %arg7[%parallel_loop3A_266, %parallel_loop3A_267] {strides = array<i32>} : memref<128x128xf32, #tpu.memory_space<vmem>>, vector<1x16xf32>,
        %parallel_loop3A_269 = vector.shape_cast %parallel_loop3A_268 : vector<1x16xf32> to vector<16xf32>
        %parallel_loop3A_270 = arith.constant 11.3137083 : f32
        %parallel_loop3A_271 = vector.broadcast %parallel_loop3A_270 : f32 to vector<16xf32>
        %parallel_loop3A_272 = arith.mulf %parallel_loop3A_269, %parallel_loop3A_271 : vector<16xf32>
        %parallel_loop3A_273 = arith.index_cast %parallel_loop3A_193 : i32 to index
        %parallel_loop3A_274 = arith.constant 96 : index
        %parallel_loop3A_275 = tpu.vector_load %arg7[%parallel_loop3A_273, %parallel_loop3A_274] {strides = array<i32>} : memref<128x128xf32, #tpu.memory_space<vmem>>, vector<1x16xf32>,
        %parallel_loop3A_276 = vector.shape_cast %parallel_loop3A_275 : vector<1x16xf32> to vector<16xf32>
        %parallel_loop3A_277 = vector.shape_cast %parallel_loop3A_272 : vector<16xf32> to vector<1x16xf32>
        tpu.vector_store %arg7[%parallel_loop3A_273, %parallel_loop3A_274], %parallel_loop3A_277 {strides = array<i32>} : memref<128x128xf32, #tpu.memory_space<vmem>>, vector<1x16xf32>,
        %parallel_loop3A_278 = arith.index_cast %parallel_loop3A_193 : i32 to index
        %parallel_loop3A_279 = arith.constant 112 : index
        %parallel_loop3A_280 = tpu.vector_load %arg7[%parallel_loop3A_278, %parallel_loop3A_279] {strides = array<i32>} : memref<128x128xf32, #tpu.memory_space<vmem>>, vector<1x16xf32>,
        %parallel_loop3A_281 = vector.shape_cast %parallel_loop3A_280 : vector<1x16xf32> to vector<16xf32>
        %parallel_loop3A_282 = arith.constant 11.3137083 : f32
        %parallel_loop3A_283 = vector.broadcast %parallel_loop3A_282 : f32 to vector<16xf32>
        %parallel_loop3A_284 = arith.mulf %parallel_loop3A_281, %parallel_loop3A_283 : vector<16xf32>
        %parallel_loop3A_285 = arith.index_cast %parallel_loop3A_193 : i32 to index
        %parallel_loop3A_286 = arith.constant 112 : index
        %parallel_loop3A_287 = tpu.vector_load %arg7[%parallel_loop3A_285, %parallel_loop3A_286] {strides = array<i32>} : memref<128x128xf32, #tpu.memory_space<vmem>>, vector<1x16xf32>,
        %parallel_loop3A_288 = vector.shape_cast %parallel_loop3A_287 : vector<1x16xf32> to vector<16xf32>
        %parallel_loop3A_289 = vector.shape_cast %parallel_loop3A_284 : vector<16xf32> to vector<1x16xf32>
        tpu.vector_store %arg7[%parallel_loop3A_285, %parallel_loop3A_286], %parallel_loop3A_289 {strides = array<i32>} : memref<128x128xf32, #tpu.memory_space<vmem>>, vector<1x16xf32>,
      } {sc.loop_unroll_factor = 4 : i64, sc.parallel_access}
      %add3A_122 = arith.constant 1 : i32
      %add3A_123 = arith.addi %mul3A_91, %add3A_122 : i32
      %add3A_124 = arith.addi %mul3A_2, %add3A_123 : i32
      %mul3A_125 = arith.constant 128 : i32
      %mul3A_126 = arith.muli %add3A_124, %mul3A_125 : i32
      %dma_start3A_127 = arith.constant 0 : i32
      %dma_start3A_128 = tpu.memref_slice %arg4[%mul3A_126, %dma_start3A_127] : memref<819200x128xf32, #tpu.memory_space<hbm>> -> memref<128x128xf32, #tpu.memory_space<hbm>>
      %dma_start3A_129 = arith.constant 0 : i32
      %dma_start3A_130 = tpu.memref_slice %arg4[%mul3A_126, %dma_start3A_129] : memref<819200x128xf32, #tpu.memory_space<hbm>> -> memref<128x128xf32, #tpu.memory_space<hbm>>
      tpu.enqueue_dma source(%arg7 : memref<128x128xf32, #tpu.memory_space<vmem>>) target(%dma_start3A_130 : memref<128x128xf32, #tpu.memory_space<hbm>>) target_semaphore(%arg17 : memref<!tpu.dma_semaphore, #tpu.memory_space<semaphore_mem>>)
      %add3A_131 = arith.constant 2 : i32
      %add3A_132 = arith.addi %mul3A_91, %add3A_131 : i32
      %dma_wait3A_133 = arith.constant 0 : i32
      %dma_wait3A_134 = tpu.memref_slice %arg5[%add3A_132, %dma_wait3A_133] : memref<200x128xi32, #tpu.memory_space<vmem>> -> memref<1x128xi32, #tpu.memory_space<vmem>>
      %dma_wait3A_135 = tpu.memref_squeeze %dma_wait3A_134 : memref<1x128xi32, #tpu.memory_space<vmem>> -> memref<128xi32, #tpu.memory_space<vmem>>
      %dma_wait3A_136 = arith.constant 0 : i32
      %dma_wait3A_137 = arith.constant 0 : i32
      %dma_wait3A_138 = tpu.memref_slice %arg3[%dma_wait3A_136, %dma_wait3A_137] : memref<100000x128xf32, #tpu.memory_space<hbm>> -> memref<100000x128xf32, #tpu.memory_space<hbm>>
      tpu.wait_indirect_dma semaphore(%arg13 : memref<!tpu.dma_semaphore, #tpu.memory_space<semaphore_mem>>) src(%dma_wait3A_138 : memref<100000x128xf32, #tpu.memory_space<hbm>>) dst(%arg8 : memref<128x128xf32, #tpu.memory_space<vmem>>)
      %parallel_loop3A_139 = arith.constant 0 : i32
      %parallel_loop3A_140 = arith.constant 128 : i32
      %parallel_loop3A_141 = arith.constant 1 : i32
      scf.for %parallel_loop3A_193 = %parallel_loop3A_139 to %parallel_loop3A_140 step %parallel_loop3A_141  : i32 {
        %parallel_loop3A_194 = arith.index_cast %parallel_loop3A_193 : i32 to index
        %parallel_loop3A_195 = arith.constant 0 : index
        %parallel_loop3A_196 = tpu.vector_load %arg8[%parallel_loop3A_194, %parallel_loop3A_195] {strides = array<i32>} : memref<128x128xf32, #tpu.memory_space<vmem>>, vector<1x16xf32>,
        %parallel_loop3A_197 = vector.shape_cast %parallel_loop3A_196 : vector<1x16xf32> to vector<16xf32>
        %parallel_loop3A_198 = arith.constant 11.3137083 : f32
        %parallel_loop3A_199 = vector.broadcast %parallel_loop3A_198 : f32 to vector<16xf32>
        %parallel_loop3A_200 = arith.mulf %parallel_loop3A_197, %parallel_loop3A_199 : vector<16xf32>
        %parallel_loop3A_201 = arith.index_cast %parallel_loop3A_193 : i32 to index
        %parallel_loop3A_202 = arith.constant 0 : index
        %parallel_loop3A_203 = tpu.vector_load %arg8[%parallel_loop3A_201, %parallel_loop3A_202] {strides = array<i32>} : memref<128x128xf32, #tpu.memory_space<vmem>>, vector<1x16xf32>,
        %parallel_loop3A_204 = vector.shape_cast %parallel_loop3A_203 : vector<1x16xf32> to vector<16xf32>
        %parallel_loop3A_205 = vector.shape_cast %parallel_loop3A_200 : vector<16xf32> to vector<1x16xf32>
        tpu.vector_store %arg8[%parallel_loop3A_201, %parallel_loop3A_202], %parallel_loop3A_205 {strides = array<i32>} : memref<128x128xf32, #tpu.memory_space<vmem>>, vector<1x16xf32>,
        %parallel_loop3A_206 = arith.index_cast %parallel_loop3A_193 : i32 to index
        %parallel_loop3A_207 = arith.constant 16 : index
        %parallel_loop3A_208 = tpu.vector_load %arg8[%parallel_loop3A_206, %parallel_loop3A_207] {strides = array<i32>} : memref<128x128xf32, #tpu.memory_space<vmem>>, vector<1x16xf32>,
        %parallel_loop3A_209 = vector.shape_cast %parallel_loop3A_208 : vector<1x16xf32> to vector<16xf32>
        %parallel_loop3A_210 = arith.constant 11.3137083 : f32
        %parallel_loop3A_211 = vector.broadcast %parallel_loop3A_210 : f32 to vector<16xf32>
        %parallel_loop3A_212 = arith.mulf %parallel_loop3A_209, %parallel_loop3A_211 : vector<16xf32>
        %parallel_loop3A_213 = arith.index_cast %parallel_loop3A_193 : i32 to index
        %parallel_loop3A_214 = arith.constant 16 : index
        %parallel_loop3A_215 = tpu.vector_load %arg8[%parallel_loop3A_213, %parallel_loop3A_214] {strides = array<i32>} : memref<128x128xf32, #tpu.memory_space<vmem>>, vector<1x16xf32>,
        %parallel_loop3A_216 = vector.shape_cast %parallel_loop3A_215 : vector<1x16xf32> to vector<16xf32>
        %parallel_loop3A_217 = vector.shape_cast %parallel_loop3A_212 : vector<16xf32> to vector<1x16xf32>
        tpu.vector_store %arg8[%parallel_loop3A_213, %parallel_loop3A_214], %parallel_loop3A_217 {strides = array<i32>} : memref<128x128xf32, #tpu.memory_space<vmem>>, vector<1x16xf32>,
        %parallel_loop3A_218 = arith.index_cast %parallel_loop3A_193 : i32 to index
        %parallel_loop3A_219 = arith.constant 32 : index
        %parallel_loop3A_220 = tpu.vector_load %arg8[%parallel_loop3A_218, %parallel_loop3A_219] {strides = array<i32>} : memref<128x128xf32, #tpu.memory_space<vmem>>, vector<1x16xf32>,
        %parallel_loop3A_221 = vector.shape_cast %parallel_loop3A_220 : vector<1x16xf32> to vector<16xf32>
        %parallel_loop3A_222 = arith.constant 11.3137083 : f32
        %parallel_loop3A_223 = vector.broadcast %parallel_loop3A_222 : f32 to vector<16xf32>
        %parallel_loop3A_224 = arith.mulf %parallel_loop3A_221, %parallel_loop3A_223 : vector<16xf32>
        %parallel_loop3A_225 = arith.index_cast %parallel_loop3A_193 : i32 to index
        %parallel_loop3A_226 = arith.constant 32 : index
        %parallel_loop3A_227 = tpu.vector_load %arg8[%parallel_loop3A_225, %parallel_loop3A_226] {strides = array<i32>} : memref<128x128xf32, #tpu.memory_space<vmem>>, vector<1x16xf32>,
        %parallel_loop3A_228 = vector.shape_cast %parallel_loop3A_227 : vector<1x16xf32> to vector<16xf32>
        %parallel_loop3A_229 = vector.shape_cast %parallel_loop3A_224 : vector<16xf32> to vector<1x16xf32>
        tpu.vector_store %arg8[%parallel_loop3A_225, %parallel_loop3A_226], %parallel_loop3A_229 {strides = array<i32>} : memref<128x128xf32, #tpu.memory_space<vmem>>, vector<1x16xf32>,
        %parallel_loop3A_230 = arith.index_cast %parallel_loop3A_193 : i32 to index
        %parallel_loop3A_231 = arith.constant 48 : index
        %parallel_loop3A_232 = tpu.vector_load %arg8[%parallel_loop3A_230, %parallel_loop3A_231] {strides = array<i32>} : memref<128x128xf32, #tpu.memory_space<vmem>>, vector<1x16xf32>,
        %parallel_loop3A_233 = vector.shape_cast %parallel_loop3A_232 : vector<1x16xf32> to vector<16xf32>
        %parallel_loop3A_234 = arith.constant 11.3137083 : f32
        %parallel_loop3A_235 = vector.broadcast %parallel_loop3A_234 : f32 to vector<16xf32>
        %parallel_loop3A_236 = arith.mulf %parallel_loop3A_233, %parallel_loop3A_235 : vector<16xf32>
        %parallel_loop3A_237 = arith.index_cast %parallel_loop3A_193 : i32 to index
        %parallel_loop3A_238 = arith.constant 48 : index
        %parallel_loop3A_239 = tpu.vector_load %arg8[%parallel_loop3A_237, %parallel_loop3A_238] {strides = array<i32>} : memref<128x128xf32, #tpu.memory_space<vmem>>, vector<1x16xf32>,
        %parallel_loop3A_240 = vector.shape_cast %parallel_loop3A_239 : vector<1x16xf32> to vector<16xf32>
        %parallel_loop3A_241 = vector.shape_cast %parallel_loop3A_236 : vector<16xf32> to vector<1x16xf32>
        tpu.vector_store %arg8[%parallel_loop3A_237, %parallel_loop3A_238], %parallel_loop3A_241 {strides = array<i32>} : memref<128x128xf32, #tpu.memory_space<vmem>>, vector<1x16xf32>,
        %parallel_loop3A_242 = arith.index_cast %parallel_loop3A_193 : i32 to index
        %parallel_loop3A_243 = arith.constant 64 : index
        %parallel_loop3A_244 = tpu.vector_load %arg8[%parallel_loop3A_242, %parallel_loop3A_243] {strides = array<i32>} : memref<128x128xf32, #tpu.memory_space<vmem>>, vector<1x16xf32>,
        %parallel_loop3A_245 = vector.shape_cast %parallel_loop3A_244 : vector<1x16xf32> to vector<16xf32>
        %parallel_loop3A_246 = arith.constant 11.3137083 : f32
        %parallel_loop3A_247 = vector.broadcast %parallel_loop3A_246 : f32 to vector<16xf32>
        %parallel_loop3A_248 = arith.mulf %parallel_loop3A_245, %parallel_loop3A_247 : vector<16xf32>
        %parallel_loop3A_249 = arith.index_cast %parallel_loop3A_193 : i32 to index
        %parallel_loop3A_250 = arith.constant 64 : index
        %parallel_loop3A_251 = tpu.vector_load %arg8[%parallel_loop3A_249, %parallel_loop3A_250] {strides = array<i32>} : memref<128x128xf32, #tpu.memory_space<vmem>>, vector<1x16xf32>,
        %parallel_loop3A_252 = vector.shape_cast %parallel_loop3A_251 : vector<1x16xf32> to vector<16xf32>
        %parallel_loop3A_253 = vector.shape_cast %parallel_loop3A_248 : vector<16xf32> to vector<1x16xf32>
        tpu.vector_store %arg8[%parallel_loop3A_249, %parallel_loop3A_250], %parallel_loop3A_253 {strides = array<i32>} : memref<128x128xf32, #tpu.memory_space<vmem>>, vector<1x16xf32>,
        %parallel_loop3A_254 = arith.index_cast %parallel_loop3A_193 : i32 to index
        %parallel_loop3A_255 = arith.constant 80 : index
        %parallel_loop3A_256 = tpu.vector_load %arg8[%parallel_loop3A_254, %parallel_loop3A_255] {strides = array<i32>} : memref<128x128xf32, #tpu.memory_space<vmem>>, vector<1x16xf32>,
        %parallel_loop3A_257 = vector.shape_cast %parallel_loop3A_256 : vector<1x16xf32> to vector<16xf32>
        %parallel_loop3A_258 = arith.constant 11.3137083 : f32
        %parallel_loop3A_259 = vector.broadcast %parallel_loop3A_258 : f32 to vector<16xf32>
        %parallel_loop3A_260 = arith.mulf %parallel_loop3A_257, %parallel_loop3A_259 : vector<16xf32>
        %parallel_loop3A_261 = arith.index_cast %parallel_loop3A_193 : i32 to index
        %parallel_loop3A_262 = arith.constant 80 : index
        %parallel_loop3A_263 = tpu.vector_load %arg8[%parallel_loop3A_261, %parallel_loop3A_262] {strides = array<i32>} : memref<128x128xf32, #tpu.memory_space<vmem>>, vector<1x16xf32>,
        %parallel_loop3A_264 = vector.shape_cast %parallel_loop3A_263 : vector<1x16xf32> to vector<16xf32>
        %parallel_loop3A_265 = vector.shape_cast %parallel_loop3A_260 : vector<16xf32> to vector<1x16xf32>
        tpu.vector_store %arg8[%parallel_loop3A_261, %parallel_loop3A_262], %parallel_loop3A_265 {strides = array<i32>} : memref<128x128xf32, #tpu.memory_space<vmem>>, vector<1x16xf32>,
        %parallel_loop3A_266 = arith.index_cast %parallel_loop3A_193 : i32 to index
        %parallel_loop3A_267 = arith.constant 96 : index
        %parallel_loop3A_268 = tpu.vector_load %arg8[%parallel_loop3A_266, %parallel_loop3A_267] {strides = array<i32>} : memref<128x128xf32, #tpu.memory_space<vmem>>, vector<1x16xf32>,
        %parallel_loop3A_269 = vector.shape_cast %parallel_loop3A_268 : vector<1x16xf32> to vector<16xf32>
        %parallel_loop3A_270 = arith.constant 11.3137083 : f32
        %parallel_loop3A_271 = vector.broadcast %parallel_loop3A_270 : f32 to vector<16xf32>
        %parallel_loop3A_272 = arith.mulf %parallel_loop3A_269, %parallel_loop3A_271 : vector<16xf32>
        %parallel_loop3A_273 = arith.index_cast %parallel_loop3A_193 : i32 to index
        %parallel_loop3A_274 = arith.constant 96 : index
        %parallel_loop3A_275 = tpu.vector_load %arg8[%parallel_loop3A_273, %parallel_loop3A_274] {strides = array<i32>} : memref<128x128xf32, #tpu.memory_space<vmem>>, vector<1x16xf32>,
        %parallel_loop3A_276 = vector.shape_cast %parallel_loop3A_275 : vector<1x16xf32> to vector<16xf32>
        %parallel_loop3A_277 = vector.shape_cast %parallel_loop3A_272 : vector<16xf32> to vector<1x16xf32>
        tpu.vector_store %arg8[%parallel_loop3A_273, %parallel_loop3A_274], %parallel_loop3A_277 {strides = array<i32>} : memref<128x128xf32, #tpu.memory_space<vmem>>, vector<1x16xf32>,
        %parallel_loop3A_278 = arith.index_cast %parallel_loop3A_193 : i32 to index
        %parallel_loop3A_279 = arith.constant 112 : index
        %parallel_loop3A_280 = tpu.vector_load %arg8[%parallel_loop3A_278, %parallel_loop3A_279] {strides = array<i32>} : memref<128x128xf32, #tpu.memory_space<vmem>>, vector<1x16xf32>,
        %parallel_loop3A_281 = vector.shape_cast %parallel_loop3A_280 : vector<1x16xf32> to vector<16xf32>
        %parallel_loop3A_282 = arith.constant 11.3137083 : f32
        %parallel_loop3A_283 = vector.broadcast %parallel_loop3A_282 : f32 to vector<16xf32>
        %parallel_loop3A_284 = arith.mulf %parallel_loop3A_281, %parallel_loop3A_283 : vector<16xf32>
        %parallel_loop3A_285 = arith.index_cast %parallel_loop3A_193 : i32 to index
        %parallel_loop3A_286 = arith.constant 112 : index
        %parallel_loop3A_287 = tpu.vector_load %arg8[%parallel_loop3A_285, %parallel_loop3A_286] {strides = array<i32>} : memref<128x128xf32, #tpu.memory_space<vmem>>, vector<1x16xf32>,
        %parallel_loop3A_288 = vector.shape_cast %parallel_loop3A_287 : vector<1x16xf32> to vector<16xf32>
        %parallel_loop3A_289 = vector.shape_cast %parallel_loop3A_284 : vector<16xf32> to vector<1x16xf32>
        tpu.vector_store %arg8[%parallel_loop3A_285, %parallel_loop3A_286], %parallel_loop3A_289 {strides = array<i32>} : memref<128x128xf32, #tpu.memory_space<vmem>>, vector<1x16xf32>,
      } {sc.loop_unroll_factor = 4 : i64, sc.parallel_access}
      %add3A_142 = arith.constant 2 : i32
      %add3A_143 = arith.addi %mul3A_91, %add3A_142 : i32
      %add3A_144 = arith.addi %mul3A_2, %add3A_143 : i32
      %mul3A_145 = arith.constant 128 : i32
      %mul3A_146 = arith.muli %add3A_144, %mul3A_145 : i32
      %dma_start3A_147 = arith.constant 0 : i32
      %dma_start3A_148 = tpu.memref_slice %arg4[%mul3A_146, %dma_start3A_147] : memref<819200x128xf32, #tpu.memory_space<hbm>> -> memref<128x128xf32, #tpu.memory_space<hbm>>
      %dma_start3A_149 = arith.constant 0 : i32
      %dma_start3A_150 = tpu.memref_slice %arg4[%mul3A_146, %dma_start3A_149] : memref<819200x128xf32, #tpu.memory_space<hbm>> -> memref<128x128xf32, #tpu.memory_space<hbm>>
      tpu.enqueue_dma source(%arg8 : memref<128x128xf32, #tpu.memory_space<vmem>>) target(%dma_start3A_150 : memref<128x128xf32, #tpu.memory_space<hbm>>) target_semaphore(%arg18 : memref<!tpu.dma_semaphore, #tpu.memory_space<semaphore_mem>>)
      %add3A_151 = arith.constant 3 : i32
      %add3A_152 = arith.addi %mul3A_91, %add3A_151 : i32
      %dma_wait3A_153 = arith.constant 0 : i32
      %dma_wait3A_154 = tpu.memref_slice %arg5[%add3A_152, %dma_wait3A_153] : memref<200x128xi32, #tpu.memory_space<vmem>> -> memref<1x128xi32, #tpu.memory_space<vmem>>
      %dma_wait3A_155 = tpu.memref_squeeze %dma_wait3A_154 : memref<1x128xi32, #tpu.memory_space<vmem>> -> memref<128xi32, #tpu.memory_space<vmem>>
      %dma_wait3A_156 = arith.constant 0 : i32
      %dma_wait3A_157 = arith.constant 0 : i32
      %dma_wait3A_158 = tpu.memref_slice %arg3[%dma_wait3A_156, %dma_wait3A_157] : memref<100000x128xf32, #tpu.memory_space<hbm>> -> memref<100000x128xf32, #tpu.memory_space<hbm>>
      tpu.wait_indirect_dma semaphore(%arg14 : memref<!tpu.dma_semaphore, #tpu.memory_space<semaphore_mem>>) src(%dma_wait3A_158 : memref<100000x128xf32, #tpu.memory_space<hbm>>) dst(%arg9 : memref<128x128xf32, #tpu.memory_space<vmem>>)
      %parallel_loop3A_159 = arith.constant 0 : i32
      %parallel_loop3A_160 = arith.constant 128 : i32
      %parallel_loop3A_161 = arith.constant 1 : i32
      scf.for %parallel_loop3A_193 = %parallel_loop3A_159 to %parallel_loop3A_160 step %parallel_loop3A_161  : i32 {
        %parallel_loop3A_194 = arith.index_cast %parallel_loop3A_193 : i32 to index
        %parallel_loop3A_195 = arith.constant 0 : index
        %parallel_loop3A_196 = tpu.vector_load %arg9[%parallel_loop3A_194, %parallel_loop3A_195] {strides = array<i32>} : memref<128x128xf32, #tpu.memory_space<vmem>>, vector<1x16xf32>,
        %parallel_loop3A_197 = vector.shape_cast %parallel_loop3A_196 : vector<1x16xf32> to vector<16xf32>
        %parallel_loop3A_198 = arith.constant 11.3137083 : f32
        %parallel_loop3A_199 = vector.broadcast %parallel_loop3A_198 : f32 to vector<16xf32>
        %parallel_loop3A_200 = arith.mulf %parallel_loop3A_197, %parallel_loop3A_199 : vector<16xf32>
        %parallel_loop3A_201 = arith.index_cast %parallel_loop3A_193 : i32 to index
        %parallel_loop3A_202 = arith.constant 0 : index
        %parallel_loop3A_203 = tpu.vector_load %arg9[%parallel_loop3A_201, %parallel_loop3A_202] {strides = array<i32>} : memref<128x128xf32, #tpu.memory_space<vmem>>, vector<1x16xf32>,
        %parallel_loop3A_204 = vector.shape_cast %parallel_loop3A_203 : vector<1x16xf32> to vector<16xf32>
        %parallel_loop3A_205 = vector.shape_cast %parallel_loop3A_200 : vector<16xf32> to vector<1x16xf32>
        tpu.vector_store %arg9[%parallel_loop3A_201, %parallel_loop3A_202], %parallel_loop3A_205 {strides = array<i32>} : memref<128x128xf32, #tpu.memory_space<vmem>>, vector<1x16xf32>,
        %parallel_loop3A_206 = arith.index_cast %parallel_loop3A_193 : i32 to index
        %parallel_loop3A_207 = arith.constant 16 : index
        %parallel_loop3A_208 = tpu.vector_load %arg9[%parallel_loop3A_206, %parallel_loop3A_207] {strides = array<i32>} : memref<128x128xf32, #tpu.memory_space<vmem>>, vector<1x16xf32>,
        %parallel_loop3A_209 = vector.shape_cast %parallel_loop3A_208 : vector<1x16xf32> to vector<16xf32>
        %parallel_loop3A_210 = arith.constant 11.3137083 : f32
        %parallel_loop3A_211 = vector.broadcast %parallel_loop3A_210 : f32 to vector<16xf32>
        %parallel_loop3A_212 = arith.mulf %parallel_loop3A_209, %parallel_loop3A_211 : vector<16xf32>
        %parallel_loop3A_213 = arith.index_cast %parallel_loop3A_193 : i32 to index
        %parallel_loop3A_214 = arith.constant 16 : index
        %parallel_loop3A_215 = tpu.vector_load %arg9[%parallel_loop3A_213, %parallel_loop3A_214] {strides = array<i32>} : memref<128x128xf32, #tpu.memory_space<vmem>>, vector<1x16xf32>,
        %parallel_loop3A_216 = vector.shape_cast %parallel_loop3A_215 : vector<1x16xf32> to vector<16xf32>
        %parallel_loop3A_217 = vector.shape_cast %parallel_loop3A_212 : vector<16xf32> to vector<1x16xf32>
        tpu.vector_store %arg9[%parallel_loop3A_213, %parallel_loop3A_214], %parallel_loop3A_217 {strides = array<i32>} : memref<128x128xf32, #tpu.memory_space<vmem>>, vector<1x16xf32>,
        %parallel_loop3A_218 = arith.index_cast %parallel_loop3A_193 : i32 to index
        %parallel_loop3A_219 = arith.constant 32 : index
        %parallel_loop3A_220 = tpu.vector_load %arg9[%parallel_loop3A_218, %parallel_loop3A_219] {strides = array<i32>} : memref<128x128xf32, #tpu.memory_space<vmem>>, vector<1x16xf32>,
        %parallel_loop3A_221 = vector.shape_cast %parallel_loop3A_220 : vector<1x16xf32> to vector<16xf32>
        %parallel_loop3A_222 = arith.constant 11.3137083 : f32
        %parallel_loop3A_223 = vector.broadcast %parallel_loop3A_222 : f32 to vector<16xf32>
        %parallel_loop3A_224 = arith.mulf %parallel_loop3A_221, %parallel_loop3A_223 : vector<16xf32>
        %parallel_loop3A_225 = arith.index_cast %parallel_loop3A_193 : i32 to index
        %parallel_loop3A_226 = arith.constant 32 : index
        %parallel_loop3A_227 = tpu.vector_load %arg9[%parallel_loop3A_225, %parallel_loop3A_226] {strides = array<i32>} : memref<128x128xf32, #tpu.memory_space<vmem>>, vector<1x16xf32>,
        %parallel_loop3A_228 = vector.shape_cast %parallel_loop3A_227 : vector<1x16xf32> to vector<16xf32>
        %parallel_loop3A_229 = vector.shape_cast %parallel_loop3A_224 : vector<16xf32> to vector<1x16xf32>
        tpu.vector_store %arg9[%parallel_loop3A_225, %parallel_loop3A_226], %parallel_loop3A_229 {strides = array<i32>} : memref<128x128xf32, #tpu.memory_space<vmem>>, vector<1x16xf32>,
        %parallel_loop3A_230 = arith.index_cast %parallel_loop3A_193 : i32 to index
        %parallel_loop3A_231 = arith.constant 48 : index
        %parallel_loop3A_232 = tpu.vector_load %arg9[%parallel_loop3A_230, %parallel_loop3A_231] {strides = array<i32>} : memref<128x128xf32, #tpu.memory_space<vmem>>, vector<1x16xf32>,
        %parallel_loop3A_233 = vector.shape_cast %parallel_loop3A_232 : vector<1x16xf32> to vector<16xf32>
        %parallel_loop3A_234 = arith.constant 11.3137083 : f32
        %parallel_loop3A_235 = vector.broadcast %parallel_loop3A_234 : f32 to vector<16xf32>
        %parallel_loop3A_236 = arith.mulf %parallel_loop3A_233, %parallel_loop3A_235 : vector<16xf32>
        %parallel_loop3A_237 = arith.index_cast %parallel_loop3A_193 : i32 to index
        %parallel_loop3A_238 = arith.constant 48 : index
        %parallel_loop3A_239 = tpu.vector_load %arg9[%parallel_loop3A_237, %parallel_loop3A_238] {strides = array<i32>} : memref<128x128xf32, #tpu.memory_space<vmem>>, vector<1x16xf32>,
        %parallel_loop3A_240 = vector.shape_cast %parallel_loop3A_239 : vector<1x16xf32> to vector<16xf32>
        %parallel_loop3A_241 = vector.shape_cast %parallel_loop3A_236 : vector<16xf32> to vector<1x16xf32>
        tpu.vector_store %arg9[%parallel_loop3A_237, %parallel_loop3A_238], %parallel_loop3A_241 {strides = array<i32>} : memref<128x128xf32, #tpu.memory_space<vmem>>, vector<1x16xf32>,
        %parallel_loop3A_242 = arith.index_cast %parallel_loop3A_193 : i32 to index
        %parallel_loop3A_243 = arith.constant 64 : index
        %parallel_loop3A_244 = tpu.vector_load %arg9[%parallel_loop3A_242, %parallel_loop3A_243] {strides = array<i32>} : memref<128x128xf32, #tpu.memory_space<vmem>>, vector<1x16xf32>,
        %parallel_loop3A_245 = vector.shape_cast %parallel_loop3A_244 : vector<1x16xf32> to vector<16xf32>
        %parallel_loop3A_246 = arith.constant 11.3137083 : f32
        %parallel_loop3A_247 = vector.broadcast %parallel_loop3A_246 : f32 to vector<16xf32>
        %parallel_loop3A_248 = arith.mulf %parallel_loop3A_245, %parallel_loop3A_247 : vector<16xf32>
        %parallel_loop3A_249 = arith.index_cast %parallel_loop3A_193 : i32 to index
        %parallel_loop3A_250 = arith.constant 64 : index
        %parallel_loop3A_251 = tpu.vector_load %arg9[%parallel_loop3A_249, %parallel_loop3A_250] {strides = array<i32>} : memref<128x128xf32, #tpu.memory_space<vmem>>, vector<1x16xf32>,
        %parallel_loop3A_252 = vector.shape_cast %parallel_loop3A_251 : vector<1x16xf32> to vector<16xf32>
        %parallel_loop3A_253 = vector.shape_cast %parallel_loop3A_248 : vector<16xf32> to vector<1x16xf32>
        tpu.vector_store %arg9[%parallel_loop3A_249, %parallel_loop3A_250], %parallel_loop3A_253 {strides = array<i32>} : memref<128x128xf32, #tpu.memory_space<vmem>>, vector<1x16xf32>,
        %parallel_loop3A_254 = arith.index_cast %parallel_loop3A_193 : i32 to index
        %parallel_loop3A_255 = arith.constant 80 : index
        %parallel_loop3A_256 = tpu.vector_load %arg9[%parallel_loop3A_254, %parallel_loop3A_255] {strides = array<i32>} : memref<128x128xf32, #tpu.memory_space<vmem>>, vector<1x16xf32>,
        %parallel_loop3A_257 = vector.shape_cast %parallel_loop3A_256 : vector<1x16xf32> to vector<16xf32>
        %parallel_loop3A_258 = arith.constant 11.3137083 : f32
        %parallel_loop3A_259 = vector.broadcast %parallel_loop3A_258 : f32 to vector<16xf32>
        %parallel_loop3A_260 = arith.mulf %parallel_loop3A_257, %parallel_loop3A_259 : vector<16xf32>
        %parallel_loop3A_261 = arith.index_cast %parallel_loop3A_193 : i32 to index
        %parallel_loop3A_262 = arith.constant 80 : index
        %parallel_loop3A_263 = tpu.vector_load %arg9[%parallel_loop3A_261, %parallel_loop3A_262] {strides = array<i32>} : memref<128x128xf32, #tpu.memory_space<vmem>>, vector<1x16xf32>,
        %parallel_loop3A_264 = vector.shape_cast %parallel_loop3A_263 : vector<1x16xf32> to vector<16xf32>
        %parallel_loop3A_265 = vector.shape_cast %parallel_loop3A_260 : vector<16xf32> to vector<1x16xf32>
        tpu.vector_store %arg9[%parallel_loop3A_261, %parallel_loop3A_262], %parallel_loop3A_265 {strides = array<i32>} : memref<128x128xf32, #tpu.memory_space<vmem>>, vector<1x16xf32>,
        %parallel_loop3A_266 = arith.index_cast %parallel_loop3A_193 : i32 to index
        %parallel_loop3A_267 = arith.constant 96 : index
        %parallel_loop3A_268 = tpu.vector_load %arg9[%parallel_loop3A_266, %parallel_loop3A_267] {strides = array<i32>} : memref<128x128xf32, #tpu.memory_space<vmem>>, vector<1x16xf32>,
        %parallel_loop3A_269 = vector.shape_cast %parallel_loop3A_268 : vector<1x16xf32> to vector<16xf32>
        %parallel_loop3A_270 = arith.constant 11.3137083 : f32
        %parallel_loop3A_271 = vector.broadcast %parallel_loop3A_270 : f32 to vector<16xf32>
        %parallel_loop3A_272 = arith.mulf %parallel_loop3A_269, %parallel_loop3A_271 : vector<16xf32>
        %parallel_loop3A_273 = arith.index_cast %parallel_loop3A_193 : i32 to index
        %parallel_loop3A_274 = arith.constant 96 : index
        %parallel_loop3A_275 = tpu.vector_load %arg9[%parallel_loop3A_273, %parallel_loop3A_274] {strides = array<i32>} : memref<128x128xf32, #tpu.memory_space<vmem>>, vector<1x16xf32>,
        %parallel_loop3A_276 = vector.shape_cast %parallel_loop3A_275 : vector<1x16xf32> to vector<16xf32>
        %parallel_loop3A_277 = vector.shape_cast %parallel_loop3A_272 : vector<16xf32> to vector<1x16xf32>
        tpu.vector_store %arg9[%parallel_loop3A_273, %parallel_loop3A_274], %parallel_loop3A_277 {strides = array<i32>} : memref<128x128xf32, #tpu.memory_space<vmem>>, vector<1x16xf32>,
        %parallel_loop3A_278 = arith.index_cast %parallel_loop3A_193 : i32 to index
        %parallel_loop3A_279 = arith.constant 112 : index
        %parallel_loop3A_280 = tpu.vector_load %arg9[%parallel_loop3A_278, %parallel_loop3A_279] {strides = array<i32>} : memref<128x128xf32, #tpu.memory_space<vmem>>, vector<1x16xf32>,
        %parallel_loop3A_281 = vector.shape_cast %parallel_loop3A_280 : vector<1x16xf32> to vector<16xf32>
        %parallel_loop3A_282 = arith.constant 11.3137083 : f32
        %parallel_loop3A_283 = vector.broadcast %parallel_loop3A_282 : f32 to vector<16xf32>
        %parallel_loop3A_284 = arith.mulf %parallel_loop3A_281, %parallel_loop3A_283 : vector<16xf32>
        %parallel_loop3A_285 = arith.index_cast %parallel_loop3A_193 : i32 to index
        %parallel_loop3A_286 = arith.constant 112 : index
        %parallel_loop3A_287 = tpu.vector_load %arg9[%parallel_loop3A_285, %parallel_loop3A_286] {strides = array<i32>} : memref<128x128xf32, #tpu.memory_space<vmem>>, vector<1x16xf32>,
        %parallel_loop3A_288 = vector.shape_cast %parallel_loop3A_287 : vector<1x16xf32> to vector<16xf32>
        %parallel_loop3A_289 = vector.shape_cast %parallel_loop3A_284 : vector<16xf32> to vector<1x16xf32>
        tpu.vector_store %arg9[%parallel_loop3A_285, %parallel_loop3A_286], %parallel_loop3A_289 {strides = array<i32>} : memref<128x128xf32, #tpu.memory_space<vmem>>, vector<1x16xf32>,
      } {sc.loop_unroll_factor = 4 : i64, sc.parallel_access}
      %add3A_162 = arith.constant 3 : i32
      %add3A_163 = arith.addi %mul3A_91, %add3A_162 : i32
      %add3A_164 = arith.addi %mul3A_2, %add3A_163 : i32
      %mul3A_165 = arith.constant 128 : i32
      %mul3A_166 = arith.muli %add3A_164, %mul3A_165 : i32
      %dma_start3A_167 = arith.constant 0 : i32
      %dma_start3A_168 = tpu.memref_slice %arg4[%mul3A_166, %dma_start3A_167] : memref<819200x128xf32, #tpu.memory_space<hbm>> -> memref<128x128xf32, #tpu.memory_space<hbm>>
      %dma_start3A_169 = arith.constant 0 : i32
      %dma_start3A_170 = tpu.memref_slice %arg4[%mul3A_166, %dma_start3A_169] : memref<819200x128xf32, #tpu.memory_space<hbm>> -> memref<128x128xf32, #tpu.memory_space<hbm>>
      tpu.enqueue_dma source(%arg9 : memref<128x128xf32, #tpu.memory_space<vmem>>) target(%dma_start3A_170 : memref<128x128xf32, #tpu.memory_space<hbm>>) target_semaphore(%arg19 : memref<!tpu.dma_semaphore, #tpu.memory_space<semaphore_mem>>)
      %add3A_171 = arith.constant 4 : i32
      %add3A_172 = arith.addi %mul3A_91, %add3A_171 : i32
      %dma_wait3A_173 = arith.constant 0 : i32
      %dma_wait3A_174 = tpu.memref_slice %arg5[%add3A_172, %dma_wait3A_173] : memref<200x128xi32, #tpu.memory_space<vmem>> -> memref<1x128xi32, #tpu.memory_space<vmem>>
      %dma_wait3A_175 = tpu.memref_squeeze %dma_wait3A_174 : memref<1x128xi32, #tpu.memory_space<vmem>> -> memref<128xi32, #tpu.memory_space<vmem>>
      %dma_wait3A_176 = arith.constant 0 : i32
      %dma_wait3A_177 = arith.constant 0 : i32
      %dma_wait3A_178 = tpu.memref_slice %arg3[%dma_wait3A_176, %dma_wait3A_177] : memref<100000x128xf32, #tpu.memory_space<hbm>> -> memref<100000x128xf32, #tpu.memory_space<hbm>>
      tpu.wait_indirect_dma semaphore(%arg15 : memref<!tpu.dma_semaphore, #tpu.memory_space<semaphore_mem>>) src(%dma_wait3A_178 : memref<100000x128xf32, #tpu.memory_space<hbm>>) dst(%arg10 : memref<128x128xf32, #tpu.memory_space<vmem>>)
      %parallel_loop3A_179 = arith.constant 0 : i32
      %parallel_loop3A_180 = arith.constant 128 : i32
      %parallel_loop3A_181 = arith.constant 1 : i32
      scf.for %parallel_loop3A_193 = %parallel_loop3A_179 to %parallel_loop3A_180 step %parallel_loop3A_181  : i32 {
        %parallel_loop3A_194 = arith.index_cast %parallel_loop3A_193 : i32 to index
        %parallel_loop3A_195 = arith.constant 0 : index
        %parallel_loop3A_196 = tpu.vector_load %arg10[%parallel_loop3A_194, %parallel_loop3A_195] {strides = array<i32>} : memref<128x128xf32, #tpu.memory_space<vmem>>, vector<1x16xf32>,
        %parallel_loop3A_197 = vector.shape_cast %parallel_loop3A_196 : vector<1x16xf32> to vector<16xf32>
        %parallel_loop3A_198 = arith.constant 11.3137083 : f32
        %parallel_loop3A_199 = vector.broadcast %parallel_loop3A_198 : f32 to vector<16xf32>
        %parallel_loop3A_200 = arith.mulf %parallel_loop3A_197, %parallel_loop3A_199 : vector<16xf32>
        %parallel_loop3A_201 = arith.index_cast %parallel_loop3A_193 : i32 to index
        %parallel_loop3A_202 = arith.constant 0 : index
        %parallel_loop3A_203 = tpu.vector_load %arg10[%parallel_loop3A_201, %parallel_loop3A_202] {strides = array<i32>} : memref<128x128xf32, #tpu.memory_space<vmem>>, vector<1x16xf32>,
        %parallel_loop3A_204 = vector.shape_cast %parallel_loop3A_203 : vector<1x16xf32> to vector<16xf32>
        %parallel_loop3A_205 = vector.shape_cast %parallel_loop3A_200 : vector<16xf32> to vector<1x16xf32>
        tpu.vector_store %arg10[%parallel_loop3A_201, %parallel_loop3A_202], %parallel_loop3A_205 {strides = array<i32>} : memref<128x128xf32, #tpu.memory_space<vmem>>, vector<1x16xf32>,
        %parallel_loop3A_206 = arith.index_cast %parallel_loop3A_193 : i32 to index
        %parallel_loop3A_207 = arith.constant 16 : index
        %parallel_loop3A_208 = tpu.vector_load %arg10[%parallel_loop3A_206, %parallel_loop3A_207] {strides = array<i32>} : memref<128x128xf32, #tpu.memory_space<vmem>>, vector<1x16xf32>,
        %parallel_loop3A_209 = vector.shape_cast %parallel_loop3A_208 : vector<1x16xf32> to vector<16xf32>
        %parallel_loop3A_210 = arith.constant 11.3137083 : f32
        %parallel_loop3A_211 = vector.broadcast %parallel_loop3A_210 : f32 to vector<16xf32>
        %parallel_loop3A_212 = arith.mulf %parallel_loop3A_209, %parallel_loop3A_211 : vector<16xf32>
        %parallel_loop3A_213 = arith.index_cast %parallel_loop3A_193 : i32 to index
        %parallel_loop3A_214 = arith.constant 16 : index
        %parallel_loop3A_215 = tpu.vector_load %arg10[%parallel_loop3A_213, %parallel_loop3A_214] {strides = array<i32>} : memref<128x128xf32, #tpu.memory_space<vmem>>, vector<1x16xf32>,
        %parallel_loop3A_216 = vector.shape_cast %parallel_loop3A_215 : vector<1x16xf32> to vector<16xf32>
        %parallel_loop3A_217 = vector.shape_cast %parallel_loop3A_212 : vector<16xf32> to vector<1x16xf32>
        tpu.vector_store %arg10[%parallel_loop3A_213, %parallel_loop3A_214], %parallel_loop3A_217 {strides = array<i32>} : memref<128x128xf32, #tpu.memory_space<vmem>>, vector<1x16xf32>,
        %parallel_loop3A_218 = arith.index_cast %parallel_loop3A_193 : i32 to index
        %parallel_loop3A_219 = arith.constant 32 : index
        %parallel_loop3A_220 = tpu.vector_load %arg10[%parallel_loop3A_218, %parallel_loop3A_219] {strides = array<i32>} : memref<128x128xf32, #tpu.memory_space<vmem>>, vector<1x16xf32>,
        %parallel_loop3A_221 = vector.shape_cast %parallel_loop3A_220 : vector<1x16xf32> to vector<16xf32>
        %parallel_loop3A_222 = arith.constant 11.3137083 : f32
        %parallel_loop3A_223 = vector.broadcast %parallel_loop3A_222 : f32 to vector<16xf32>
        %parallel_loop3A_224 = arith.mulf %parallel_loop3A_221, %parallel_loop3A_223 : vector<16xf32>
        %parallel_loop3A_225 = arith.index_cast %parallel_loop3A_193 : i32 to index
        %parallel_loop3A_226 = arith.constant 32 : index
        %parallel_loop3A_227 = tpu.vector_load %arg10[%parallel_loop3A_225, %parallel_loop3A_226] {strides = array<i32>} : memref<128x128xf32, #tpu.memory_space<vmem>>, vector<1x16xf32>,
        %parallel_loop3A_228 = vector.shape_cast %parallel_loop3A_227 : vector<1x16xf32> to vector<16xf32>
        %parallel_loop3A_229 = vector.shape_cast %parallel_loop3A_224 : vector<16xf32> to vector<1x16xf32>
        tpu.vector_store %arg10[%parallel_loop3A_225, %parallel_loop3A_226], %parallel_loop3A_229 {strides = array<i32>} : memref<128x128xf32, #tpu.memory_space<vmem>>, vector<1x16xf32>,
        %parallel_loop3A_230 = arith.index_cast %parallel_loop3A_193 : i32 to index
        %parallel_loop3A_231 = arith.constant 48 : index
        %parallel_loop3A_232 = tpu.vector_load %arg10[%parallel_loop3A_230, %parallel_loop3A_231] {strides = array<i32>} : memref<128x128xf32, #tpu.memory_space<vmem>>, vector<1x16xf32>,
        %parallel_loop3A_233 = vector.shape_cast %parallel_loop3A_232 : vector<1x16xf32> to vector<16xf32>
        %parallel_loop3A_234 = arith.constant 11.3137083 : f32
        %parallel_loop3A_235 = vector.broadcast %parallel_loop3A_234 : f32 to vector<16xf32>
        %parallel_loop3A_236 = arith.mulf %parallel_loop3A_233, %parallel_loop3A_235 : vector<16xf32>
        %parallel_loop3A_237 = arith.index_cast %parallel_loop3A_193 : i32 to index
        %parallel_loop3A_238 = arith.constant 48 : index
        %parallel_loop3A_239 = tpu.vector_load %arg10[%parallel_loop3A_237, %parallel_loop3A_238] {strides = array<i32>} : memref<128x128xf32, #tpu.memory_space<vmem>>, vector<1x16xf32>,
        %parallel_loop3A_240 = vector.shape_cast %parallel_loop3A_239 : vector<1x16xf32> to vector<16xf32>
        %parallel_loop3A_241 = vector.shape_cast %parallel_loop3A_236 : vector<16xf32> to vector<1x16xf32>
        tpu.vector_store %arg10[%parallel_loop3A_237, %parallel_loop3A_238], %parallel_loop3A_241 {strides = array<i32>} : memref<128x128xf32, #tpu.memory_space<vmem>>, vector<1x16xf32>,
        %parallel_loop3A_242 = arith.index_cast %parallel_loop3A_193 : i32 to index
        %parallel_loop3A_243 = arith.constant 64 : index
        %parallel_loop3A_244 = tpu.vector_load %arg10[%parallel_loop3A_242, %parallel_loop3A_243] {strides = array<i32>} : memref<128x128xf32, #tpu.memory_space<vmem>>, vector<1x16xf32>,
        %parallel_loop3A_245 = vector.shape_cast %parallel_loop3A_244 : vector<1x16xf32> to vector<16xf32>
        %parallel_loop3A_246 = arith.constant 11.3137083 : f32
        %parallel_loop3A_247 = vector.broadcast %parallel_loop3A_246 : f32 to vector<16xf32>
        %parallel_loop3A_248 = arith.mulf %parallel_loop3A_245, %parallel_loop3A_247 : vector<16xf32>
        %parallel_loop3A_249 = arith.index_cast %parallel_loop3A_193 : i32 to index
        %parallel_loop3A_250 = arith.constant 64 : index
        %parallel_loop3A_251 = tpu.vector_load %arg10[%parallel_loop3A_249, %parallel_loop3A_250] {strides = array<i32>} : memref<128x128xf32, #tpu.memory_space<vmem>>, vector<1x16xf32>,
        %parallel_loop3A_252 = vector.shape_cast %parallel_loop3A_251 : vector<1x16xf32> to vector<16xf32>
        %parallel_loop3A_253 = vector.shape_cast %parallel_loop3A_248 : vector<16xf32> to vector<1x16xf32>
        tpu.vector_store %arg10[%parallel_loop3A_249, %parallel_loop3A_250], %parallel_loop3A_253 {strides = array<i32>} : memref<128x128xf32, #tpu.memory_space<vmem>>, vector<1x16xf32>,
        %parallel_loop3A_254 = arith.index_cast %parallel_loop3A_193 : i32 to index
        %parallel_loop3A_255 = arith.constant 80 : index
        %parallel_loop3A_256 = tpu.vector_load %arg10[%parallel_loop3A_254, %parallel_loop3A_255] {strides = array<i32>} : memref<128x128xf32, #tpu.memory_space<vmem>>, vector<1x16xf32>,
        %parallel_loop3A_257 = vector.shape_cast %parallel_loop3A_256 : vector<1x16xf32> to vector<16xf32>
        %parallel_loop3A_258 = arith.constant 11.3137083 : f32
        %parallel_loop3A_259 = vector.broadcast %parallel_loop3A_258 : f32 to vector<16xf32>
        %parallel_loop3A_260 = arith.mulf %parallel_loop3A_257, %parallel_loop3A_259 : vector<16xf32>
        %parallel_loop3A_261 = arith.index_cast %parallel_loop3A_193 : i32 to index
        %parallel_loop3A_262 = arith.constant 80 : index
        %parallel_loop3A_263 = tpu.vector_load %arg10[%parallel_loop3A_261, %parallel_loop3A_262] {strides = array<i32>} : memref<128x128xf32, #tpu.memory_space<vmem>>, vector<1x16xf32>,
        %parallel_loop3A_264 = vector.shape_cast %parallel_loop3A_263 : vector<1x16xf32> to vector<16xf32>
        %parallel_loop3A_265 = vector.shape_cast %parallel_loop3A_260 : vector<16xf32> to vector<1x16xf32>
        tpu.vector_store %arg10[%parallel_loop3A_261, %parallel_loop3A_262], %parallel_loop3A_265 {strides = array<i32>} : memref<128x128xf32, #tpu.memory_space<vmem>>, vector<1x16xf32>,
        %parallel_loop3A_266 = arith.index_cast %parallel_loop3A_193 : i32 to index
        %parallel_loop3A_267 = arith.constant 96 : index
        %parallel_loop3A_268 = tpu.vector_load %arg10[%parallel_loop3A_266, %parallel_loop3A_267] {strides = array<i32>} : memref<128x128xf32, #tpu.memory_space<vmem>>, vector<1x16xf32>,
        %parallel_loop3A_269 = vector.shape_cast %parallel_loop3A_268 : vector<1x16xf32> to vector<16xf32>
        %parallel_loop3A_270 = arith.constant 11.3137083 : f32
        %parallel_loop3A_271 = vector.broadcast %parallel_loop3A_270 : f32 to vector<16xf32>
        %parallel_loop3A_272 = arith.mulf %parallel_loop3A_269, %parallel_loop3A_271 : vector<16xf32>
        %parallel_loop3A_273 = arith.index_cast %parallel_loop3A_193 : i32 to index
        %parallel_loop3A_274 = arith.constant 96 : index
        %parallel_loop3A_275 = tpu.vector_load %arg10[%parallel_loop3A_273, %parallel_loop3A_274] {strides = array<i32>} : memref<128x128xf32, #tpu.memory_space<vmem>>, vector<1x16xf32>,
        %parallel_loop3A_276 = vector.shape_cast %parallel_loop3A_275 : vector<1x16xf32> to vector<16xf32>
        %parallel_loop3A_277 = vector.shape_cast %parallel_loop3A_272 : vector<16xf32> to vector<1x16xf32>
        tpu.vector_store %arg10[%parallel_loop3A_273, %parallel_loop3A_274], %parallel_loop3A_277 {strides = array<i32>} : memref<128x128xf32, #tpu.memory_space<vmem>>, vector<1x16xf32>,
        %parallel_loop3A_278 = arith.index_cast %parallel_loop3A_193 : i32 to index
        %parallel_loop3A_279 = arith.constant 112 : index
        %parallel_loop3A_280 = tpu.vector_load %arg10[%parallel_loop3A_278, %parallel_loop3A_279] {strides = array<i32>} : memref<128x128xf32, #tpu.memory_space<vmem>>, vector<1x16xf32>,
        %parallel_loop3A_281 = vector.shape_cast %parallel_loop3A_280 : vector<1x16xf32> to vector<16xf32>
        %parallel_loop3A_282 = arith.constant 11.3137083 : f32
        %parallel_loop3A_283 = vector.broadcast %parallel_loop3A_282 : f32 to vector<16xf32>
        %parallel_loop3A_284 = arith.mulf %parallel_loop3A_281, %parallel_loop3A_283 : vector<16xf32>
        %parallel_loop3A_285 = arith.index_cast %parallel_loop3A_193 : i32 to index
        %parallel_loop3A_286 = arith.constant 112 : index
        %parallel_loop3A_287 = tpu.vector_load %arg10[%parallel_loop3A_285, %parallel_loop3A_286] {strides = array<i32>} : memref<128x128xf32, #tpu.memory_space<vmem>>, vector<1x16xf32>,
        %parallel_loop3A_288 = vector.shape_cast %parallel_loop3A_287 : vector<1x16xf32> to vector<16xf32>
        %parallel_loop3A_289 = vector.shape_cast %parallel_loop3A_284 : vector<16xf32> to vector<1x16xf32>
        tpu.vector_store %arg10[%parallel_loop3A_285, %parallel_loop3A_286], %parallel_loop3A_289 {strides = array<i32>} : memref<128x128xf32, #tpu.memory_space<vmem>>, vector<1x16xf32>,
      } {sc.loop_unroll_factor = 4 : i64, sc.parallel_access}
      %add3A_182 = arith.constant 4 : i32
      %add3A_183 = arith.addi %mul3A_91, %add3A_182 : i32
      %add3A_184 = arith.addi %mul3A_2, %add3A_183 : i32
      %mul3A_185 = arith.constant 128 : i32
      %mul3A_186 = arith.muli %add3A_184, %mul3A_185 : i32
      %dma_start3A_187 = arith.constant 0 : i32
      %dma_start3A_188 = tpu.memref_slice %arg4[%mul3A_186, %dma_start3A_187] : memref<819200x128xf32, #tpu.memory_space<hbm>> -> memref<128x128xf32, #tpu.memory_space<hbm>>
      %dma_start3A_189 = arith.constant 0 : i32
      %dma_start3A_190 = tpu.memref_slice %arg4[%mul3A_186, %dma_start3A_189] : memref<819200x128xf32, #tpu.memory_space<hbm>> -> memref<128x128xf32, #tpu.memory_space<hbm>>
      tpu.enqueue_dma source(%arg10 : memref<128x128xf32, #tpu.memory_space<vmem>>) target(%dma_start3A_190 : memref<128x128xf32, #tpu.memory_space<hbm>>) target_semaphore(%arg20 : memref<!tpu.dma_semaphore, #tpu.memory_space<semaphore_mem>>)
      %lt3A = arith.constant 39 : i32
      %lt3A_191 = arith.cmpi slt, %scan3A_89, %lt3A : i32
      %convert_element_type3A = arith.extui %lt3A_191 : i1 to i32
      %cond3A = arith.constant 0 : i32
      %cond3A_192 = arith.cmpi ne, %convert_element_type3A, %cond3A : i32
      scf.if %cond3A_192 {
        %add3A_193 = arith.constant 0 : i32
        %add3A_194 = arith.addi %mul3A_91, %add3A_193 : i32
        %add3A_195 = arith.addi %mul3A_2, %add3A_194 : i32
        %mul3A_196 = arith.constant 128 : i32
        %mul3A_197 = arith.muli %add3A_195, %mul3A_196 : i32
        %dma_wait3A_198 = arith.constant 0 : i32
        %dma_wait3A_199 = tpu.memref_slice %arg4[%mul3A_197, %dma_wait3A_198] : memref<819200x128xf32, #tpu.memory_space<hbm>> -> memref<128x128xf32, #tpu.memory_space<hbm>>
        %dma_wait3A_200 = arith.constant 0 : i32
        %dma_wait3A_201 = tpu.memref_slice %arg4[%mul3A_197, %dma_wait3A_200] : memref<819200x128xf32, #tpu.memory_space<hbm>> -> memref<128x128xf32, #tpu.memory_space<hbm>>
        tpu.wait_dma2 semaphore(%arg16 : memref<!tpu.dma_semaphore, #tpu.memory_space<semaphore_mem>>) src(%arg6 : memref<128x128xf32, #tpu.memory_space<vmem>>) dst(%dma_wait3A_201 : memref<128x128xf32, #tpu.memory_space<hbm>>)
        %add3A_202 = arith.constant 5 : i32
        %add3A_203 = arith.addi %mul3A_91, %add3A_202 : i32
        %add3A_204 = arith.constant 0 : i32
        %add3A_205 = arith.addi %add3A_203, %add3A_204 : i32
        %dma_start3A_206 = arith.constant 0 : i32
        %dma_start3A_207 = tpu.memref_slice %arg5[%add3A_205, %dma_start3A_206] : memref<200x128xi32, #tpu.memory_space<vmem>> -> memref<1x128xi32, #tpu.memory_space<vmem>>
        %dma_start3A_208 = tpu.memref_squeeze %dma_start3A_207 : memref<1x128xi32, #tpu.memory_space<vmem>> -> memref<128xi32, #tpu.memory_space<vmem>>
        %dma_start3A_209 = arith.constant 0 : i32
        %dma_start3A_210 = arith.constant 0 : i32
        %dma_start3A_211 = tpu.memref_slice %arg3[%dma_start3A_209, %dma_start3A_210] : memref<100000x128xf32, #tpu.memory_space<hbm>> -> memref<100000x128xf32, #tpu.memory_space<hbm>>
        tpu.enqueue_indirect_dma source(%dma_start3A_211 : memref<100000x128xf32, #tpu.memory_space<hbm>>) target(%arg6 : memref<128x128xf32, #tpu.memory_space<vmem>>) offsets(%dma_start3A_208 : memref<128xi32, #tpu.memory_space<vmem>>) semaphore(%arg11 : memref<!tpu.dma_semaphore, #tpu.memory_space<semaphore_mem>>)
        %add3A_212 = arith.constant 1 : i32
        %add3A_213 = arith.addi %mul3A_91, %add3A_212 : i32
        %add3A_214 = arith.addi %mul3A_2, %add3A_213 : i32
        %mul3A_215 = arith.constant 128 : i32
        %mul3A_216 = arith.muli %add3A_214, %mul3A_215 : i32
        %dma_wait3A_217 = arith.constant 0 : i32
        %dma_wait3A_218 = tpu.memref_slice %arg4[%mul3A_216, %dma_wait3A_217] : memref<819200x128xf32, #tpu.memory_space<hbm>> -> memref<128x128xf32, #tpu.memory_space<hbm>>
        %dma_wait3A_219 = arith.constant 0 : i32
        %dma_wait3A_220 = tpu.memref_slice %arg4[%mul3A_216, %dma_wait3A_219] : memref<819200x128xf32, #tpu.memory_space<hbm>> -> memref<128x128xf32, #tpu.memory_space<hbm>>
        tpu.wait_dma2 semaphore(%arg17 : memref<!tpu.dma_semaphore, #tpu.memory_space<semaphore_mem>>) src(%arg7 : memref<128x128xf32, #tpu.memory_space<vmem>>) dst(%dma_wait3A_220 : memref<128x128xf32, #tpu.memory_space<hbm>>)
        %add3A_221 = arith.constant 5 : i32
        %add3A_222 = arith.addi %mul3A_91, %add3A_221 : i32
        %add3A_223 = arith.constant 1 : i32
        %add3A_224 = arith.addi %add3A_222, %add3A_223 : i32
        %dma_start3A_225 = arith.constant 0 : i32
        %dma_start3A_226 = tpu.memref_slice %arg5[%add3A_224, %dma_start3A_225] : memref<200x128xi32, #tpu.memory_space<vmem>> -> memref<1x128xi32, #tpu.memory_space<vmem>>
        %dma_start3A_227 = tpu.memref_squeeze %dma_start3A_226 : memref<1x128xi32, #tpu.memory_space<vmem>> -> memref<128xi32, #tpu.memory_space<vmem>>
        %dma_start3A_228 = arith.constant 0 : i32
        %dma_start3A_229 = arith.constant 0 : i32
        %dma_start3A_230 = tpu.memref_slice %arg3[%dma_start3A_228, %dma_start3A_229] : memref<100000x128xf32, #tpu.memory_space<hbm>> -> memref<100000x128xf32, #tpu.memory_space<hbm>>
        tpu.enqueue_indirect_dma source(%dma_start3A_230 : memref<100000x128xf32, #tpu.memory_space<hbm>>) target(%arg7 : memref<128x128xf32, #tpu.memory_space<vmem>>) offsets(%dma_start3A_227 : memref<128xi32, #tpu.memory_space<vmem>>) semaphore(%arg12 : memref<!tpu.dma_semaphore, #tpu.memory_space<semaphore_mem>>)
        %add3A_231 = arith.constant 2 : i32
        %add3A_232 = arith.addi %mul3A_91, %add3A_231 : i32
        %add3A_233 = arith.addi %mul3A_2, %add3A_232 : i32
        %mul3A_234 = arith.constant 128 : i32
        %mul3A_235 = arith.muli %add3A_233, %mul3A_234 : i32
        %dma_wait3A_236 = arith.constant 0 : i32
        %dma_wait3A_237 = tpu.memref_slice %arg4[%mul3A_235, %dma_wait3A_236] : memref<819200x128xf32, #tpu.memory_space<hbm>> -> memref<128x128xf32, #tpu.memory_space<hbm>>
        %dma_wait3A_238 = arith.constant 0 : i32
        %dma_wait3A_239 = tpu.memref_slice %arg4[%mul3A_235, %dma_wait3A_238] : memref<819200x128xf32, #tpu.memory_space<hbm>> -> memref<128x128xf32, #tpu.memory_space<hbm>>
        tpu.wait_dma2 semaphore(%arg18 : memref<!tpu.dma_semaphore, #tpu.memory_space<semaphore_mem>>) src(%arg8 : memref<128x128xf32, #tpu.memory_space<vmem>>) dst(%dma_wait3A_239 : memref<128x128xf32, #tpu.memory_space<hbm>>)
        %add3A_240 = arith.constant 5 : i32
        %add3A_241 = arith.addi %mul3A_91, %add3A_240 : i32
        %add3A_242 = arith.constant 2 : i32
        %add3A_243 = arith.addi %add3A_241, %add3A_242 : i32
        %dma_start3A_244 = arith.constant 0 : i32
        %dma_start3A_245 = tpu.memref_slice %arg5[%add3A_243, %dma_start3A_244] : memref<200x128xi32, #tpu.memory_space<vmem>> -> memref<1x128xi32, #tpu.memory_space<vmem>>
        %dma_start3A_246 = tpu.memref_squeeze %dma_start3A_245 : memref<1x128xi32, #tpu.memory_space<vmem>> -> memref<128xi32, #tpu.memory_space<vmem>>
        %dma_start3A_247 = arith.constant 0 : i32
        %dma_start3A_248 = arith.constant 0 : i32
        %dma_start3A_249 = tpu.memref_slice %arg3[%dma_start3A_247, %dma_start3A_248] : memref<100000x128xf32, #tpu.memory_space<hbm>> -> memref<100000x128xf32, #tpu.memory_space<hbm>>
        tpu.enqueue_indirect_dma source(%dma_start3A_249 : memref<100000x128xf32, #tpu.memory_space<hbm>>) target(%arg8 : memref<128x128xf32, #tpu.memory_space<vmem>>) offsets(%dma_start3A_246 : memref<128xi32, #tpu.memory_space<vmem>>) semaphore(%arg13 : memref<!tpu.dma_semaphore, #tpu.memory_space<semaphore_mem>>)
        %add3A_250 = arith.constant 3 : i32
        %add3A_251 = arith.addi %mul3A_91, %add3A_250 : i32
        %add3A_252 = arith.addi %mul3A_2, %add3A_251 : i32
        %mul3A_253 = arith.constant 128 : i32
        %mul3A_254 = arith.muli %add3A_252, %mul3A_253 : i32
        %dma_wait3A_255 = arith.constant 0 : i32
        %dma_wait3A_256 = tpu.memref_slice %arg4[%mul3A_254, %dma_wait3A_255] : memref<819200x128xf32, #tpu.memory_space<hbm>> -> memref<128x128xf32, #tpu.memory_space<hbm>>
        %dma_wait3A_257 = arith.constant 0 : i32
        %dma_wait3A_258 = tpu.memref_slice %arg4[%mul3A_254, %dma_wait3A_257] : memref<819200x128xf32, #tpu.memory_space<hbm>> -> memref<128x128xf32, #tpu.memory_space<hbm>>
        tpu.wait_dma2 semaphore(%arg19 : memref<!tpu.dma_semaphore, #tpu.memory_space<semaphore_mem>>) src(%arg9 : memref<128x128xf32, #tpu.memory_space<vmem>>) dst(%dma_wait3A_258 : memref<128x128xf32, #tpu.memory_space<hbm>>)
        %add3A_259 = arith.constant 5 : i32
        %add3A_260 = arith.addi %mul3A_91, %add3A_259 : i32
        %add3A_261 = arith.constant 3 : i32
        %add3A_262 = arith.addi %add3A_260, %add3A_261 : i32
        %dma_start3A_263 = arith.constant 0 : i32
        %dma_start3A_264 = tpu.memref_slice %arg5[%add3A_262, %dma_start3A_263] : memref<200x128xi32, #tpu.memory_space<vmem>> -> memref<1x128xi32, #tpu.memory_space<vmem>>
        %dma_start3A_265 = tpu.memref_squeeze %dma_start3A_264 : memref<1x128xi32, #tpu.memory_space<vmem>> -> memref<128xi32, #tpu.memory_space<vmem>>
        %dma_start3A_266 = arith.constant 0 : i32
        %dma_start3A_267 = arith.constant 0 : i32
        %dma_start3A_268 = tpu.memref_slice %arg3[%dma_start3A_266, %dma_start3A_267] : memref<100000x128xf32, #tpu.memory_space<hbm>> -> memref<100000x128xf32, #tpu.memory_space<hbm>>
        tpu.enqueue_indirect_dma source(%dma_start3A_268 : memref<100000x128xf32, #tpu.memory_space<hbm>>) target(%arg9 : memref<128x128xf32, #tpu.memory_space<vmem>>) offsets(%dma_start3A_265 : memref<128xi32, #tpu.memory_space<vmem>>) semaphore(%arg14 : memref<!tpu.dma_semaphore, #tpu.memory_space<semaphore_mem>>)
        %add3A_269 = arith.constant 4 : i32
        %add3A_270 = arith.addi %mul3A_91, %add3A_269 : i32
        %add3A_271 = arith.addi %mul3A_2, %add3A_270 : i32
        %mul3A_272 = arith.constant 128 : i32
        %mul3A_273 = arith.muli %add3A_271, %mul3A_272 : i32
        %dma_wait3A_274 = arith.constant 0 : i32
        %dma_wait3A_275 = tpu.memref_slice %arg4[%mul3A_273, %dma_wait3A_274] : memref<819200x128xf32, #tpu.memory_space<hbm>> -> memref<128x128xf32, #tpu.memory_space<hbm>>
        %dma_wait3A_276 = arith.constant 0 : i32
        %dma_wait3A_277 = tpu.memref_slice %arg4[%mul3A_273, %dma_wait3A_276] : memref<819200x128xf32, #tpu.memory_space<hbm>> -> memref<128x128xf32, #tpu.memory_space<hbm>>
        tpu.wait_dma2 semaphore(%arg20 : memref<!tpu.dma_semaphore, #tpu.memory_space<semaphore_mem>>) src(%arg10 : memref<128x128xf32, #tpu.memory_space<vmem>>) dst(%dma_wait3A_277 : memref<128x128xf32, #tpu.memory_space<hbm>>)
        %add3A_278 = arith.constant 5 : i32
        %add3A_279 = arith.addi %mul3A_91, %add3A_278 : i32
        %add3A_280 = arith.constant 4 : i32
        %add3A_281 = arith.addi %add3A_279, %add3A_280 : i32
        %dma_start3A_282 = arith.constant 0 : i32
        %dma_start3A_283 = tpu.memref_slice %arg5[%add3A_281, %dma_start3A_282] : memref<200x128xi32, #tpu.memory_space<vmem>> -> memref<1x128xi32, #tpu.memory_space<vmem>>
        %dma_start3A_284 = tpu.memref_squeeze %dma_start3A_283 : memref<1x128xi32, #tpu.memory_space<vmem>> -> memref<128xi32, #tpu.memory_space<vmem>>
        %dma_start3A_285 = arith.constant 0 : i32
        %dma_start3A_286 = arith.constant 0 : i32
        %dma_start3A_287 = tpu.memref_slice %arg3[%dma_start3A_285, %dma_start3A_286] : memref<100000x128xf32, #tpu.memory_space<hbm>> -> memref<100000x128xf32, #tpu.memory_space<hbm>>
        tpu.enqueue_indirect_dma source(%dma_start3A_287 : memref<100000x128xf32, #tpu.memory_space<hbm>>) target(%arg10 : memref<128x128xf32, #tpu.memory_space<vmem>>) offsets(%dma_start3A_284 : memref<128xi32, #tpu.memory_space<vmem>>) semaphore(%arg15 : memref<!tpu.dma_semaphore, #tpu.memory_space<semaphore_mem>>)
      } else {
      }
    }
    %scan3A_48 = arith.constant 40 : i32
    %add3A_49 = arith.constant 195 : i32
    %add3A_50 = arith.addi %mul3A_2, %add3A_49 : i32
    %mul3A_51 = arith.constant 128 : i32
    %mul3A_52 = arith.muli %add3A_50, %mul3A_51 : i32
    %dma_wait3A_53 = arith.constant 0 : i32
    %dma_wait3A_54 = tpu.memref_slice %arg4[%mul3A_52, %dma_wait3A_53] : memref<819200x128xf32, #tpu.memory_space<hbm>> -> memref<128x128xf32, #tpu.memory_space<hbm>>
    %dma_wait3A_55 = arith.constant 0 : i32
    %dma_wait3A_56 = tpu.memref_slice %arg4[%mul3A_52, %dma_wait3A_55] : memref<819200x128xf32, #tpu.memory_space<hbm>> -> memref<128x128xf32, #tpu.memory_space<hbm>>
    tpu.wait_dma2 semaphore(%arg16 : memref<!tpu.dma_semaphore, #tpu.memory_space<semaphore_mem>>) src(%arg6 : memref<128x128xf32, #tpu.memory_space<vmem>>) dst(%dma_wait3A_56 : memref<128x128xf32, #tpu.memory_space<hbm>>)
    %add3A_57 = arith.constant 196 : i32
    %add3A_58 = arith.addi %mul3A_2, %add3A_57 : i32
    %mul3A_59 = arith.constant 128 : i32
    %mul3A_60 = arith.muli %add3A_58, %mul3A_59 : i32
    %dma_wait3A_61 = arith.constant 0 : i32
    %dma_wait3A_62 = tpu.memref_slice %arg4[%mul3A_60, %dma_wait3A_61] : memref<819200x128xf32, #tpu.memory_space<hbm>> -> memref<128x128xf32, #tpu.memory_space<hbm>>
    %dma_wait3A_63 = arith.constant 0 : i32
    %dma_wait3A_64 = tpu.memref_slice %arg4[%mul3A_60, %dma_wait3A_63] : memref<819200x128xf32, #tpu.memory_space<hbm>> -> memref<128x128xf32, #tpu.memory_space<hbm>>
    tpu.wait_dma2 semaphore(%arg17 : memref<!tpu.dma_semaphore, #tpu.memory_space<semaphore_mem>>) src(%arg7 : memref<128x128xf32, #tpu.memory_space<vmem>>) dst(%dma_wait3A_64 : memref<128x128xf32, #tpu.memory_space<hbm>>)
    %add3A_65 = arith.constant 197 : i32
    %add3A_66 = arith.addi %mul3A_2, %add3A_65 : i32
    %mul3A_67 = arith.constant 128 : i32
    %mul3A_68 = arith.muli %add3A_66, %mul3A_67 : i32
    %dma_wait3A_69 = arith.constant 0 : i32
    %dma_wait3A_70 = tpu.memref_slice %arg4[%mul3A_68, %dma_wait3A_69] : memref<819200x128xf32, #tpu.memory_space<hbm>> -> memref<128x128xf32, #tpu.memory_space<hbm>>
    %dma_wait3A_71 = arith.constant 0 : i32
    %dma_wait3A_72 = tpu.memref_slice %arg4[%mul3A_68, %dma_wait3A_71] : memref<819200x128xf32, #tpu.memory_space<hbm>> -> memref<128x128xf32, #tpu.memory_space<hbm>>
    tpu.wait_dma2 semaphore(%arg18 : memref<!tpu.dma_semaphore, #tpu.memory_space<semaphore_mem>>) src(%arg8 : memref<128x128xf32, #tpu.memory_space<vmem>>) dst(%dma_wait3A_72 : memref<128x128xf32, #tpu.memory_space<hbm>>)
    %add3A_73 = arith.constant 198 : i32
    %add3A_74 = arith.addi %mul3A_2, %add3A_73 : i32
    %mul3A_75 = arith.constant 128 : i32
    %mul3A_76 = arith.muli %add3A_74, %mul3A_75 : i32
    %dma_wait3A_77 = arith.constant 0 : i32
    %dma_wait3A_78 = tpu.memref_slice %arg4[%mul3A_76, %dma_wait3A_77] : memref<819200x128xf32, #tpu.memory_space<hbm>> -> memref<128x128xf32, #tpu.memory_space<hbm>>
    %dma_wait3A_79 = arith.constant 0 : i32
    %dma_wait3A_80 = tpu.memref_slice %arg4[%mul3A_76, %dma_wait3A_79] : memref<819200x128xf32, #tpu.memory_space<hbm>> -> memref<128x128xf32, #tpu.memory_space<hbm>>
    tpu.wait_dma2 semaphore(%arg19 : memref<!tpu.dma_semaphore, #tpu.memory_space<semaphore_mem>>) src(%arg9 : memref<128x128xf32, #tpu.memory_space<vmem>>) dst(%dma_wait3A_80 : memref<128x128xf32, #tpu.memory_space<hbm>>)
    %add3A_81 = arith.constant 199 : i32
    %add3A_82 = arith.addi %mul3A_2, %add3A_81 : i32
    %mul3A_83 = arith.constant 128 : i32
    %mul3A_84 = arith.muli %add3A_82, %mul3A_83 : i32
    %dma_wait3A_85 = arith.constant 0 : i32
    %dma_wait3A_86 = tpu.memref_slice %arg4[%mul3A_84, %dma_wait3A_85] : memref<819200x128xf32, #tpu.memory_space<hbm>> -> memref<128x128xf32, #tpu.memory_space<hbm>>
    %dma_wait3A_87 = arith.constant 0 : i32
    %dma_wait3A_88 = tpu.memref_slice %arg4[%mul3A_84, %dma_wait3A_87] : memref<819200x128xf32, #tpu.memory_space<hbm>> -> memref<128x128xf32, #tpu.memory_space<hbm>>
    tpu.wait_dma2 semaphore(%arg20 : memref<!tpu.dma_semaphore, #tpu.memory_space<semaphore_mem>>) src(%arg10 : memref<128x128xf32, #tpu.memory_space<vmem>>) dst(%dma_wait3A_88 : memref<128x128xf32, #tpu.memory_space<hbm>>)
    return
  }
}

</mosaic_0001>

<sc_bundles>
// kernel: kernel.3.cloned.1.call-start
scs
__scs_entry_jumppad:
0x0: {  	(pc) =	sbr.rel $0x88, $3  }
0x1: {  	(tag) =	ssettag $0x0;
	lr =	simm.s32 $0x1  }
0x2: {  	[smem:$0x3F9F] =	sst lr;
	_ =	strace $0xD0000000  }
0x3: {  	_ = 	snop  }
0x4: {  	_ = 	snop  }
0x5: {  	_ = 	snop  }
0x6: {  	_ = 	snop  }
0x7: {  	_ = 	snop  }
__scs_overlays_trampoline_lowered:
0x8: {  	[smem:$0x3FAE] =	sst s0  }
0x9: {  	[smem:$0x3FAF] =	sst s1  }
0xa: {  	[smem:$0x3FB0] =	sst s2  }
0xb: {  	[smem:$0x3FB1] =	sst s3  }
0xc: {  	[smem:$0x3FB2] =	sst s4  }
0xd: {  	[smem:$0x3FB3] =	sst s5  }
0xe: {  	[smem:$0x3FB4] =	sst s6  }
0xf: {  	[smem:$0x3FB5] =	sst s7  }
0x10: {  	[smem:$0x3FB6] =	sst s8  }
0x11: {  	[smem:$0x3FB7] =	sst s9;
	s0 =	simm.s32 @!p0 $0x0  }
0x12: {  	s1 =	sld [smem:$0x3F9D];
	s0 =	simm.s32 @p0 $0x1  }
0x13: {  	[smem:$0x3FB8] =	sst s0;
	s0 =	simm.s32 @!p1 $0x0  }
0x14: {  	s2 =	sld [smem:$0x3F9C];
	s0 =	simm.s32 @p1 $0x1  }
0x15: {  	[smem:$0x3FB9] =	sst s0;
	s0 =	simm.s32 @!p2 $0x0  }
0x16: {  	s3 =	sld [smem:$0x3FDB];
	s0 =	simm.s32 @p2 $0x1  }
0x17: {  	s4 =	simm.s32 $0x1BF5;
	[smem:$0x3FBB] =	sst s0  }
0x18: {  	s0 =	sld [smem:$0x3F9E];
	_ =	swait.ge [sflag:s4], $0x0  }
0x19: {  	s7 =	sld [smem:$0x3F9F]  }
0x1a: {  	s8 =	sadd.s32 $0xFFFFE003, lr  }
0x1b: {  	s9 =	sadd.s32 $0xFFFFFEF7, lr;
	s5 =	simm.s32 $0xFFFFFFFF;
	p2 =	slt.u32 s8, $0xFFFFF086  }
0x1c: {  	p1 =	slt.u32 s9, $0xF7A;
	s5 =	simm.s32 @!p2 $0x0  }
0x1d: {  	s5 =	simm.s32 @p1 $0x1;
	p0 =	seq.s32 s7, s2  }
0x1e: {  	s7 =	smul.u32 @!p0 $0xF7A, s2;
	p2 =	seq.s32 @!p0 s5, $0x0  }
0x1f: {  	s9 =	smul.u32 $0xF7A, s1;
	s8 =	simm.s32 @!p0 $0x1BF5;
	p2 =	por !p2, p0  }
0x20: {  	[sflag:s8] =	ssyncset.s32 @!p0 $0xFFFFF086;
	s6 =	sadd.s32 @!p0 s3, s7;
	s7 =	simm.s32 @!p0 $0x108  }
0x21: {  	s3 =	sadd.s32 s3, s9;
	s6 =	sadd.s32 @!p0 $0x88, s6;
	s7 =	simm.s32 @p2 $0x1082  }
0x22: {  	[simem:s7], [sflag:s8] =	dma.local @!p0 [hbm:s6], $0xF7A  }
0x23: {  	s9 =	sor.u32 $0xD0000000, s2;
	s6 =	simm.s32 $0x108;
	_ =	swait.ge @!p0 [sflag:s8], $0x0  }
0x24: {  	s3 =	sadd.s32 $0x88, s3;
	s6 =	simm.s32 @!p1 $0x1082;
	[sflag:s4] =	ssyncset.s32 $0xFFFFF086  }
0x25: {  	[simem:s6], [sflag:s4] =	dma.local [hbm:s3], $0xF7A  }
0x26: {  	[smem:$0x3F9F] =	sst s1;
	(tag) =	ssettag s2;
	_ =	strace s9  }
0x27: {  	s1 =	sld [smem:$0x3FAF]  }
0x28: {  	s2 =	sld [smem:$0x3FB0]  }
0x29: {  	s4 =	sld [smem:$0x3FB2]  }
0x2a: {  	p0 =	seq.s32 s5, $0x0;
	s5 =	sld [smem:$0x3FB3]  }
0x2b: {  	s6 =	sld [smem:$0x3FB4]  }
0x2c: {  	s7 =	sld [smem:$0x3FB5]  }
0x2d: {  	s3 =	simm.s32 $0x108;
	s8 =	sld [smem:$0x3FB6]  }
0x2e: {  	s3 =	simm.s32 @!p0 $0x1082;
	s9 =	sld [smem:$0x3FB7]  }
0x2f: {  	lr =	sadd.s32 s0, s3;
	s0 =	sld [smem:$0x3FAE]  }
0x30: {  	s3 =	sld [smem:$0x3FB1]  }
0x31: {  	[smem:$0x3FBA] =	sst s10  }
0x32: {  	s10 =	sld [smem:$0x3FB8];
	_ =	sdelay $0x3  }
0x33: {  	p0 =	seq.s32 s10, $0x1;
	s10 =	sld [smem:$0x3FBA];
	_ =	sdelay $0x3  }
0x34: {  	[smem:$0x3FBA] =	sst s10  }
0x35: {  	s10 =	sld [smem:$0x3FB9];
	_ =	sdelay $0x3  }
0x36: {  	p1 =	seq.s32 s10, $0x1;
	s10 =	sld [smem:$0x3FBA];
	_ =	sdelay $0x3  }
0x37: {  	[smem:$0x3FBA] =	sst s10  }
0x38: {  	s10 =	sld [smem:$0x3FBB]  }
0x39: {  	_ = 	snop;
	(pc) =	sbr.ind lr, $3  }
0x3a: {  	_ = 	snop  }
0x3b: {  	_ = 	snop  }
0x3c: {  	p2 =	seq.s32 s10, $0x1;
	s10 =	sld [smem:$0x3FBA]  }
0x3d: {  	_ =	shalt  }
0x3e: {  	_ =	shalt  }
0x3f: {  	_ =	shalt  }
0x40: {  	_ =	shalt  }
0x41: {  	_ =	shalt  }
0x42: {  	_ =	shalt  }
0x43: {  	_ =	shalt  }
0x44: {  	_ =	shalt  }
0x45: {  	_ =	shalt  }
0x46: {  	_ =	shalt  }
0x47: {  	_ =	shalt  }
0x48: {  	_ =	shalt  }
0x49: {  	_ =	shalt  }
0x4a: {  	_ =	shalt  }
0x4b: {  	_ =	shalt  }
0x4c: {  	_ =	shalt  }
0x4d: {  	_ =	shalt  }
0x4e: {  	_ =	shalt  }
0x4f: {  	_ =	shalt  }
0x50: {  	_ =	shalt  }
0x51: {  	_ =	shalt  }
0x52: {  	_ =	shalt  }
0x53: {  	_ =	shalt  }
0x54: {  	_ =	shalt  }
0x55: {  	_ =	shalt  }
0x56: {  	_ =	shalt  }
0x57: {  	_ =	shalt  }
0x58: {  	_ =	shalt  }
0x59: {  	_ =	shalt  }
0x5a: {  	_ =	shalt  }
0x5b: {  	_ =	shalt  }
0x5c: {  	_ =	shalt  }
0x5d: {  	_ =	shalt  }
0x5e: {  	_ =	shalt  }
0x5f: {  	_ =	shalt  }
0x60: {  	_ =	shalt  }
0x61: {  	_ =	shalt  }
0x62: {  	_ =	shalt  }
0x63: {  	_ =	shalt  }
0x64: {  	_ =	shalt  }
0x65: {  	_ =	shalt  }
0x66: {  	_ =	shalt  }
0x67: {  	_ =	shalt  }
0x68: {  	_ =	shalt  }
0x69: {  	_ =	shalt  }
0x6a: {  	_ =	shalt  }
0x6b: {  	_ =	shalt  }
0x6c: {  	_ =	shalt  }
0x6d: {  	_ =	shalt  }
0x6e: {  	_ =	shalt  }
0x6f: {  	_ =	shalt  }
0x70: {  	_ =	shalt  }
0x71: {  	_ =	shalt  }
0x72: {  	_ =	shalt  }
0x73: {  	_ =	shalt  }
0x74: {  	_ =	shalt  }
0x75: {  	_ =	shalt  }
0x76: {  	_ =	shalt  }
0x77: {  	_ =	shalt  }
0x78: {  	_ =	shalt  }
0x79: {  	_ =	shalt  }
0x7a: {  	_ =	shalt  }
0x7b: {  	_ =	shalt  }
0x7c: {  	_ =	shalt  }
0x7d: {  	_ =	shalt  }
0x7e: {  	_ =	shalt  }
0x7f: {  	_ =	shalt  }
0x80: {  	_ =	shalt  }
0x81: {  	_ =	shalt  }
0x82: {  	_ =	shalt  }
0x83: {  	_ =	shalt  }
0x84: {  	_ =	shalt  }
0x85: {  	_ =	shalt  }
0x86: {  	_ =	shalt  }
0x87: {  	_ =	shalt  }
.Lfunc_end0:
.L_simem_size_0:
called_computation_lowered:
.L_overlay_start_0:
0x88: {  	s2 =	sld [smem:$0x3FD9]  }
0x89: {  	s3 =	sld [smem:$0x3FFE];
	_ =	sdelay $0x1  }
0x8a: {  	s1 =	srdreg.scid  }
0x8b: {  	s0 =	sand.u32 $0x1, s1  }
0x8c: {  	s17 =	sshll.u32 s0, $0xA;
	s2 =	sadd.s32 s3, s2  }
0x8d: {  	s2 =	sadd.s32 s2, s17  }
0x8e: {  	[smem:$0x3FC6] =	sst s2  }
0x8f: {  	_ = 	snop  }
0x90: {  	s2 =	sld [smem:$0x3FC8]  }
0x91: {  	s18 =	sld [smem:$0x3FD0];
	(tm) =	ssettm $0x1  }
0x92: {  	s4 =	sld [smem:$0x3FFB];
	_ =	sdelay $0x3  }
0x93: {  	_ =	strace s4  }
0x94: {  	s4 =	sld [smem:$0x3FFC];
	_ =	sdelay $0x3  }
0x95: {  	_ =	strace s4  }
0x96: {  	s4 =	sld [smem:$0x3FFD];
	_ =	sdelay $0x3  }
0x97: {  	_ =	strace s4  }
0x98: {  	_ =	strace $0x8FFFFFFF  }
0x99: {  	s19 =	sld [smem:$0x3FDB];
	_ =	sdelay $0x1  }
0x9a: {  	s5 =	simm.s32 $_scs_section_size  }
0x9b: {  	s6 =	simm.s32 $_size__tile_overlayer_lowered;
	s7 =	simm.s32 $_tile_overlayer_lowered  }
0x9c: {  	s22 =	simm.s32 $0x1BFF;
	s21 =	sshll.u32 s7, $0x1;
	s4 =	sadd.s32 s5, s19  }
0x9d: {  	s8 =	simm.s32 $0x0;
	s20 =	sshll.u32 s6, $0x1;
	s6 =	sadd.s32 s21, s4  }
0x9e: {  	[timem:s8], [sflag:s22] =	dma.local [hbm:s6], s20  }
0x9f: {  	_ =	swait.ge [sflag:s22], s20  }
0xa0: {  	s5 =	ssub.s32 $0x0, s20;
	[sflag:s22] =	ssyncset.done $0x0  }
0xa1: {  	[sflag:s22] =	ssyncadd.s32 s5;
	_ =	sdelay $0x1  }
0xa2: {  	s23 =	simm.s32 $0x1B8B  }
0xa3: {  	_ =	swait.ge [sflag:s23], $0x1  }
0xa4: {  	[sflag:s23] =	ssyncset.done $0x0  }
0xa5: {  	s25 =	simm.s32 $0x1B8E;
	s24 =	sld [smem:$0x3FFE];
	[sflag:s23] =	ssyncadd.s32 $0xFFFFFFFF  }
0xa6: {  	s26 =	simm.s32 $execute0_lowered;
	[smem:$0x3FD2] =	sst s25  }
0xa7: {  	s6 =	sshll.u32 s26, $0x1;
	_ =	strace $0x80000046;
	[dreg:$0x1] =	wrdreg $0xFFFFFFFF  }
0xa8: {  	s28 =	simm.s32 $_size_execute0_lowered;
	s4 =	sadd.s32 s4, s6;
	[dreg:$0x0] =	wrdreg $0x0  }
0xa9: {  	s6 =	sshll.u32 s28, $0x1;
	[dreg:$0x2] =	wrdreg s4  }
0xaa: {  	[dreg:$0x3] =	wrdreg s6  }
0xab: {  	[dreg:$0x4] =	wrdreg $0xC0  }
0xac: {  	_ =	task [dreg:s8], $0x5FFFF  }
0xad: {  	[dreg:$0x1] =	wrdreg $0xFFFFFFFF  }
0xae: {  	[dreg:$0x0] =	wrdreg $0x60  }
0xaf: {  	[dreg:$0x2] =	wrdreg s24  }
0xb0: {  	[dreg:$0x3] =	wrdreg s2  }
0xb1: {  	[dreg:$0x4] =	wrdreg s18  }
0xb2: {  	[dreg:$0x5] =	wrdreg $0x9  }
0xb3: {  	_ =	task.clear_ibuf [dreg:s8], $0x6FFFF;
	_ =	strace $0x90000046  }
0xb4: {  	s29 =	simm.s32 $0x9;
	_ =	strace $0x80000048  }
0xb5: {  	_ =	swait.ge [sflag:s29], $0x1  }
0xb6: {  	[sflag:s29] =	ssyncadd.s32 $0xFFFFFFFF  }
0xb7: {  	_ =	strace $0x90000048  }
0xb8: {  	_ =	sfence  }
0xb9: {  	s30 =	sld [smem:$0x0];
	_ =	sdelay $0x2  }
0xba: {  	s31 =	sshll.u32 s1, $0xD;
	s1 =	sshrl.u32 s1, $0x2  }
0xbb: {  	s3 =	sand.u32 $0x4000, s31;
	s1 =	sadd.s32 s1, s30  }
0xbc: {  	s0 =	sor.u32 s3, s0;
	s1 =	sshll.u32 s1, $0x11  }
0xbd: {  	s0 =	sor.u32 s1, s0  }
0xbe: {  	s0 =	sadd.s32 $0x8F2B, s0  }
0xbf: {  	[sflag:s0] =	ssyncadd.remote.s32 $0x1  }
0xc0: {  	_ =	sfence.sel $0xFFFF  }
0xc1: {  	[dreg:$0x0] =	wrdreg $0xFFFFFFFF;
	(pc) =	sbr.abs _section_cstart, $3  }
0xc2: {  	[dreg:$0x1] =	wrdreg $0xFFFFFFFF  }
0xc3: {  	_ =	task.clear_ibuf [dreg:s8], $0x2FFFF;
	_ =	strace $0x9FFFFFFF  }
0xc4: {  	(tm) =	ssettm $0x7FFFFFFF  }
0xc5: {  	_ =	shalt  }
tec
execute0_lowered:
.L_overlay_start_1:
0x0: {  	(tag) =	ssettag $0x1  }
0x1: {  	s0 =	rddreg [dreg:$0x0]  }
0x2: {  	s2 =	rddreg [dreg:$0x1];
	s1 =	srdreg.scid  }
0x3: {  	s4 =	stileid.u32;
	s3 =	rddreg [dreg:$0x2]  }
0x4: {  	s12 =	simm.s32 $0xB;
	s13 =	simm.s32 $0x80;
	s14 =	simm.s32 $0x6400  }
0x5: {  	s15 =	simm.s32 $0xA400;
	s17 =	simm.s32 $0xE400;
	s19 =	simm.s32 $0x12400  }
0x6: {  	s21 =	simm.s32 $0x16400;
	s22 =	simm.s32 $0x1;
	s23 =	simm.s32 $0x2  }
0x7: {  	s24 =	simm.s32 $0x3;
	s25 =	simm.s32 $0x4;
	s28 =	simm.s32 $0x6  }
0x8: {  	s29 =	simm.s32 $0x7;
	s1 =	sand.u32 $0x1, s1;
	s4 =	sshll.u32 s4, $0x1  }
0x9: {  	s30 =	simm.s32 $0x8;
	s31 =	simm.s32 $0x9;
	s5 =	sor.u32 s1, s4  }
0xa: {  	s4 =	simm.s32 $0x0;
	s1 =	ssub.s32 $0x2, s1;
	s6 =	smul.u32 $0xC80, s5  }
0xb: {  	[smem:$0x7FF] =	sst s4;
	s7 =	sshrl.u32 s1, $0x1;
	s5 =	smul.u32 $0xC8, s5  }
.Ltmp0:
0xc: {  	_ =	strace $0x80000047;
	s1 =	ssub.s32 s1, s7;
	(pc) =	sbr.rel .LBB2_1-.Ltmp0, $4  }
0xd: {  	s0 =	sadd.s32 s6, s0;
	s7 =	sor.u32 $0x1, s5;
	s8 =	sor.u32 $0x2, s5  }
0xe: {  	s9 =	sor.u32 $0x3, s5;
	s10 =	sor.u32 $0x4, s5;
	s26 =	smax.u32 s1, $0x1  }
0xf: {  	s1 =	simm.s32 $0xA;
	s0 =	sadd.s32 $0x400, s0;
	[dreg:$0x5] =	wrdreg s26  }
0x10: {  	s26 =	simm.s32 $0x5;
	[dreg:$0x4] =	wrdreg s0;
	s0 =	simm.s32 $0x0  }
.LBB2_14:
0x11: {  	_ =	swait.ge [sflag:s29], $0x4000  }
0x12: {  	[sflag:s29] =	ssyncset.done $0x0  }
0x13: {  	[sflag:s29] =	ssyncadd.s32 $0xFFFFC000  }
0x14: {  	_ =	swait.ge [sflag:s30], $0x4000  }
0x15: {  	[sflag:s30] =	ssyncset.done $0x0  }
0x16: {  	[sflag:s30] =	ssyncadd.s32 $0xFFFFC000  }
0x17: {  	_ =	swait.ge [sflag:s31], $0x4000  }
0x18: {  	[sflag:s31] =	ssyncset.done $0x0  }
0x19: {  	[sflag:s31] =	ssyncadd.s32 $0xFFFFC000  }
0x1a: {  	_ =	swait.ge [sflag:s1], $0x4000  }
0x1b: {  	s0 =	sadd.s32 $0x1, s0;
	s6 =	rddreg [dreg:$0x5]  }
0x1c: {  	p0 =	sne.s32 s0, s6  }
.Ltmp1:
0x1d: {  	_ = 	snop;
	(pc) =	sbr.rel @!p0 .LBB2_15-.Ltmp1, $3  }
0x1e: {  	_ =	sdelay $0x1  }
0x1f: {  	[sflag:s1] =	ssyncset.done $0x0  }
0x20: {  	[sflag:s1] =	ssyncadd.s32 $0xFFFFC000  }
.LBB2_1:
0x21: {  	s6 =	rddreg [dreg:$0x4]  }
0x22: {  	[tilespmem:s4], [sflag:$0xB] =	stream.linear.gather [hbm4b:s6+s4], $0x6400, $0x38;
	[tilespmem:$0x1A400] =	vst v63  }
0x23: {  	_ =	swait.ge [sflag:s12], $0x6400  }
0x24: {  	[sflag:s12] =	ssyncset.done $0x0  }
0x25: {  	[sflag:s12] =	ssyncadd.s32 $0xFFFF9C00  }
0x26: {  	[tilespmem:s14], [sflag:$0x1] =	stream.indirect.gather [hbm4b:s2+s13], $0x80, s4, s13, $0xb8;
	[tilespmem:$0x1A400] =	vst v63  }
0x27: {  	_ = 	snop  }
0x28: {  	[tilespmem:s15], [sflag:$0x2] =	stream.indirect.gather [hbm4b:s2+s13], $0x80, s13, s13, $0xb8;
	[tilespmem:$0x1A400] =	vst v63  }
0x29: {  	s16 =	simm.s32 $0x100  }
0x2a: {  	[tilespmem:s17], [sflag:$0x3] =	stream.indirect.gather [hbm4b:s2+s13], $0x80, s16, s13, $0xb8;
	[tilespmem:$0x1A400] =	vst v63  }
0x2b: {  	s18 =	simm.s32 $0x180  }
0x2c: {  	[tilespmem:s19], [sflag:$0x4] =	stream.indirect.gather [hbm4b:s2+s13], $0x80, s18, s13, $0xb8;
	[tilespmem:$0x1A400] =	vst v63  }
0x2d: {  	s20 =	simm.s32 $0x200;
	s16 =	simm.s32 $0x0  }
0x2e: {  	[tilespmem:s21], [sflag:$0x5] =	stream.indirect.gather [hbm4b:s2+s13], $0x80, s20, s13, $0xb8;
	[tilespmem:$0x1A400] =	vst v63  }
.LBB2_2:
0x2f: {  	_ =	swait.ge [sflag:s22], $0x4000  }
0x30: {  	[sflag:s22] =	ssyncset.done $0x0  }
0x31: {  	s20 =	simm.s32 $0x6500;
	[sflag:s22] =	ssyncadd.s32 $0xFFFFC000  }
0x32: {  	v0 =	vld [tilespmem:s20+$0xF0]  }
0x33: {  	v1 =	vld [tilespmem:s20+$0xFFFFFF10]  }
0x34: {  	v2 =	vld [tilespmem:s20+$0xFFFFFF20]  }
0x35: {  	v3 =	vld [tilespmem:s20+$0xFFFFFF30]  }
0x36: {  	v6 =	vld [tilespmem:s20+$0xFFFFFF60]  }
0x37: {  	v4 =	vld [tilespmem:s20+$0xFFFFFF40]  }
0x38: {  	v5 =	vld [tilespmem:s20+$0xFFFFFF50];
	v0 =	vmul.f32 $1.131370830e+01, v0  }
0x39: {  	v8 =	vld [tilespmem:s20+$0xFFFFFF80];
	v1 =	vmul.f32 $1.131370830e+01, v1  }
0x3a: {  	v7 =	vld [tilespmem:s20+$0xFFFFFF70];
	v2 =	vmul.f32 $1.131370830e+01, v2;
	[tilespmem:s20+$0xF0] =	vst v0  }
0x3b: {  	v6 =	vmul.f32 $1.131370830e+01, v6;
	v0 =	vld [tilespmem:s20+$0xFFFFFF90];
	[tilespmem:s20+$0xFFFFFF10] =	vst v1  }
0x3c: {  	v1 =	vmul.f32 $1.131370830e+01, v3;
	v3 =	vld [tilespmem:s20+$0xFFFFFFA0];
	[tilespmem:s20+$0xFFFFFF20] =	vst v2;
	v2 =	vmul.f32 $1.131370830e+01, v4  }
0x3d: {  	[tilespmem:s20+$0xFFFFFF60] =	vst v6;
	v6 =	vld [tilespmem:s20+$0xFFFFFFF0]  }
0x3e: {  	v4 =	vld [tilespmem:s20+$0xFFFFFFB0];
	[tilespmem:s20+$0xFFFFFF40] =	vst v2;
	v2 =	vmul.f32 $1.131370830e+01, v8  }
0x3f: {  	[tilespmem:s20+$0xFFFFFF30] =	vst v1;
	v1 =	vmul.f32 $1.131370830e+01, v5;
	v5 =	vld [tilespmem:s20+$0xFFFFFFC0]  }
0x40: {  	v8 =	vld [tilespmem:s20+$0xFFFFFFD0];
	[tilespmem:s20+$0xFFFFFF80] =	vst v2;
	v2 =	vmul.f32 $1.131370830e+01, v7  }
0x41: {  	[tilespmem:s20+$0xFFFFFF50] =	vst v1;
	v1 =	vld [tilespmem:s20+$0xFFFFFFE0];
	v0 =	vmul.f32 $1.131370830e+01, v0  }
0x42: {  	v7 =	vld [tilespmem:s20+$0x30];
	v6 =	vmul.f32 $1.131370830e+01, v6;
	[tilespmem:s20+$0xFFFFFF70] =	vst v2  }
0x43: {  	v2 =	vmul.f32 $1.131370830e+01, v3;
	v3 =	vld [tilespmem:s20+$0x0];
	[tilespmem:s20+$0xFFFFFF90] =	vst v0  }
0x44: {  	v0 =	vmul.f32 $1.131370830e+01, v4;
	v4 =	vld [tilespmem:s20+$0x10];
	[tilespmem:s20+$0xFFFFFFF0] =	vst v6  }
0x45: {  	[tilespmem:s20+$0xFFFFFFA0] =	vst v2;
	v2 =	vmul.f32 $1.131370830e+01, v5;
	v5 =	vld [tilespmem:s20+$0x20]  }
0x46: {  	v6 =	vld [tilespmem:s20+$0x80];
	[tilespmem:s20+$0xFFFFFFB0] =	vst v0;
	v0 =	vmul.f32 $1.131370830e+01, v8  }
0x47: {  	v1 =	vmul.f32 $1.131370830e+01, v1;
	[tilespmem:s20+$0xFFFFFFC0] =	vst v2;
	v2 =	vld [tilespmem:s20+$0x40]  }
0x48: {  	[tilespmem:s20+$0xFFFFFFD0] =	vst v0;
	v0 =	vmul.f32 $1.131370830e+01, v3;
	v3 =	vld [tilespmem:s20+$0x50]  }
0x49: {  	[tilespmem:s20+$0xFFFFFFE0] =	vst v1;
	v1 =	vld [tilespmem:s20+$0x60];
	v4 =	vmul.f32 $1.131370830e+01, v4  }
0x4a: {  	[tilespmem:s20+$0x0] =	vst v0;
	v0 =	vmul.f32 $1.131370830e+01, v5;
	v5 =	vld [tilespmem:s20+$0x70]  }
0x4b: {  	v6 =	vmul.f32 $1.131370830e+01, v6;
	[tilespmem:s20+$0x10] =	vst v4  }
0x4c: {  	v4 =	vmul.f32 $1.131370830e+01, v7;
	v7 =	vld [tilespmem:s20+$0x90];
	[tilespmem:s20+$0x20] =	vst v0;
	v0 =	vmul.f32 $1.131370830e+01, v2  }
0x4d: {  	v8 =	vld [tilespmem:s20+$0xA0];
	[tilespmem:s20+$0x80] =	vst v6;
	v2 =	vmul.f32 $1.131370830e+01, v3  }
0x4e: {  	v3 =	vmul.f32 $1.131370830e+01, v1;
	[tilespmem:s20+$0x40] =	vst v0;
	v0 =	vld [tilespmem:s20+$0xB0]  }
0x4f: {  	v1 =	vld [tilespmem:s20+$0xC0];
	[tilespmem:s20+$0x50] =	vst v2;
	v2 =	vmul.f32 $1.131370830e+01, v5  }
0x50: {  	[tilespmem:s20+$0x60] =	vst v3;
	v3 =	vld [tilespmem:s20+$0xD0]  }
0x51: {  	v5 =	vmul.f32 $1.131370830e+01, v7;
	[tilespmem:s20+$0x70] =	vst v2;
	v2 =	vld [tilespmem:s20+$0xE0]  }
0x52: {  	s18 =	simm.s32 $0x0;
	s6 =	simm.s32 $0x6700;
	v6 =	vmul.f32 $1.131370830e+01, v8;
	[tilespmem:s20+$0x30] =	vst v4;
	v4 =	vld [tilespmem:s20+$0xFFFFFF00]  }
.LBB2_3:
0x53: {  	v7 =	vld [tilespmem:s6+$0xF0];
	s18 =	sadd.s32 $0x4, s18;
	[tilespmem:s20+$0x90] =	vst v5;
	v0 =	vmul.f32 $1.131370830e+01, v0  }
0x54: {  	v5 =	vld [tilespmem:s6+$0xFFFFFF10];
	p0 =	slt.u32 s18, $0x7C;
	[tilespmem:s20+$0xA0] =	vst v6;
	v1 =	vmul.f32 $1.131370830e+01, v1  }
0x55: {  	v6 =	vld [tilespmem:s6+$0xFFFFFF20];
	[tilespmem:s20+$0xB0] =	vst v0;
	v0 =	vmul.f32 $1.131370830e+01, v3  }
0x56: {  	v3 =	vld [tilespmem:s6+$0xFFFFFF30];
	[tilespmem:s20+$0xC0] =	vst v1;
	v1 =	vmul.f32 $1.131370830e+01, v2  }
0x57: {  	v2 =	vld [tilespmem:s6+$0xFFFFFF40];
	v4 =	vmul.f32 $1.131370830e+01, v4;
	[tilespmem:s20+$0xD0] =	vst v0  }
0x58: {  	v0 =	vld [tilespmem:s6+$0xFFFFFF50];
	v7 =	vmul.f32 $1.131370830e+01, v7;
	[tilespmem:s20+$0xE0] =	vst v1  }
0x59: {  	v1 =	vmul.f32 $1.131370830e+01, v5;
	v5 =	vld [tilespmem:s6+$0xFFFFFF60];
	[tilespmem:s20+$0xFFFFFF00] =	vst v4;
	s20 =	smov.u32 s6  }
0x5a: {  	v4 =	vmul.f32 $1.131370830e+01, v6;
	v6 =	vld [tilespmem:s6+$0xFFFFFF70];
	[tilespmem:s6+$0xF0] =	vst v7  }
0x5b: {  	[tilespmem:s6+$0xFFFFFF10] =	vst v1;
	v1 =	vmul.f32 $1.131370830e+01, v3;
	v3 =	vld [tilespmem:s6+$0xFFFFFF80]  }
0x5c: {  	[tilespmem:s6+$0xFFFFFF20] =	vst v4;
	v2 =	vmul.f32 $1.131370830e+01, v2;
	v4 =	vld [tilespmem:s6+$0xFFFFFF90]  }
0x5d: {  	[tilespmem:s6+$0xFFFFFF30] =	vst v1;
	v0 =	vmul.f32 $1.131370830e+01, v0;
	v1 =	vld [tilespmem:s6+$0xFFFFFFA0]  }
0x5e: {  	[tilespmem:s6+$0xFFFFFF40] =	vst v2;
	v2 =	vmul.f32 $1.131370830e+01, v5;
	v5 =	vld [tilespmem:s6+$0xFFFFFFB0]  }
0x5f: {  	[tilespmem:s6+$0xFFFFFF50] =	vst v0;
	v0 =	vmul.f32 $1.131370830e+01, v6;
	v6 =	vld [tilespmem:s6+$0xFFFFFFC0]  }
0x60: {  	[tilespmem:s6+$0xFFFFFF60] =	vst v2;
	v2 =	vmul.f32 $1.131370830e+01, v3;
	v3 =	vld [tilespmem:s6+$0xFFFFFFD0]  }
0x61: {  	[tilespmem:s6+$0xFFFFFF70] =	vst v0;
	v0 =	vmul.f32 $1.131370830e+01, v4;
	v4 =	vld [tilespmem:s6+$0xFFFFFFE0]  }
0x62: {  	[tilespmem:s6+$0xFFFFFF80] =	vst v2;
	v1 =	vmul.f32 $1.131370830e+01, v1;
	v2 =	vld [tilespmem:s6+$0xFFFFFFF0]  }
0x63: {  	[tilespmem:s6+$0xFFFFFF90] =	vst v0;
	v0 =	vmul.f32 $1.131370830e+01, v5;
	v5 =	vld [tilespmem:s6+$0x0]  }
0x64: {  	[tilespmem:s6+$0xFFFFFFA0] =	vst v1;
	v1 =	vmul.f32 $1.131370830e+01, v6;
	v6 =	vld [tilespmem:s6+$0x10]  }
0x65: {  	[tilespmem:s6+$0xFFFFFFB0] =	vst v0;
	v0 =	vmul.f32 $1.131370830e+01, v3;
	v3 =	vld [tilespmem:s6+$0x20]  }
0x66: {  	[tilespmem:s6+$0xFFFFFFC0] =	vst v1;
	v1 =	vmul.f32 $1.131370830e+01, v4;
	v4 =	vld [tilespmem:s6+$0x30]  }
0x67: {  	[tilespmem:s6+$0xFFFFFFD0] =	vst v0;
	v0 =	vmul.f32 $1.131370830e+01, v2;
	v2 =	vld [tilespmem:s6+$0x40]  }
0x68: {  	[tilespmem:s6+$0xFFFFFFE0] =	vst v1;
	v1 =	vmul.f32 $1.131370830e+01, v5;
	v5 =	vld [tilespmem:s6+$0x50]  }
0x69: {  	[tilespmem:s6+$0xFFFFFFF0] =	vst v0;
	v0 =	vmul.f32 $1.131370830e+01, v6;
	v6 =	vld [tilespmem:s6+$0x60]  }
0x6a: {  	[tilespmem:s6+$0x0] =	vst v1;
	v1 =	vmul.f32 $1.131370830e+01, v3;
	v3 =	vld [tilespmem:s6+$0x70]  }
0x6b: {  	[tilespmem:s6+$0x10] =	vst v0;
	v0 =	vmul.f32 $1.131370830e+01, v4;
	v4 =	vld [tilespmem:s6+$0x80]  }
0x6c: {  	[tilespmem:s6+$0x20] =	vst v1;
	v1 =	vmul.f32 $1.131370830e+01, v2;
	v2 =	vld [tilespmem:s6+$0x90]  }
0x6d: {  	[tilespmem:s6+$0x30] =	vst v0;
	v5 =	vmul.f32 $1.131370830e+01, v5;
	v7 =	vld [tilespmem:s6+$0xA0]  }
.Ltmp2:
0x6e: {  	[tilespmem:s6+$0x40] =	vst v1;
	v6 =	vmul.f32 $1.131370830e+01, v6;
	v0 =	vld [tilespmem:s6+$0xB0];
	(pc) =	sbr.rel @p0 .LBB2_3-.Ltmp2, $4  }
0x6f: {  	[tilespmem:s6+$0x50] =	vst v5;
	v5 =	vmul.f32 $1.131370830e+01, v3;
	v1 =	vld [tilespmem:s6+$0xC0]  }
0x70: {  	[tilespmem:s6+$0x60] =	vst v6;
	v6 =	vmul.f32 $1.131370830e+01, v4;
	v3 =	vld [tilespmem:s6+$0xD0]  }
0x71: {  	[tilespmem:s6+$0x70] =	vst v5;
	v5 =	vmul.f32 $1.131370830e+01, v2;
	v2 =	vld [tilespmem:s6+$0xE0]  }
0x72: {  	s6 =	sadd.s32 $0x200, s6;
	v4 =	vld [tilespmem:s20+$0xFFFFFF00];
	[tilespmem:s20+$0x80] =	vst v6;
	v6 =	vmul.f32 $1.131370830e+01, v7  }
0x73: {  	[tilespmem:s20+$0x90] =	vst v5;
	v0 =	vmul.f32 $1.131370830e+01, v0  }
0x74: {  	[tilespmem:s20+$0xA0] =	vst v6;
	v1 =	vmul.f32 $1.131370830e+01, v1  }
0x75: {  	s18 =	smul.u32 $0x5, s16;
	[tilespmem:s20+$0xB0] =	vst v0;
	v0 =	vmul.f32 $1.131370830e+01, v3  }
0x76: {  	[tilespmem:s20+$0xC0] =	vst v1;
	v1 =	vmul.f32 $1.131370830e+01, v2  }
0x77: {  	s6 =	sadd.s32 s5, s18;
	v2 =	vmul.f32 $1.131370830e+01, v4;
	[tilespmem:s20+$0xD0] =	vst v0  }
0x78: {  	s6 =	sshll.u32 s6, $0xB;
	[tilespmem:s20+$0xE0] =	vst v1  }
0x79: {  	s6 =	sadd.s32 s3, s6;
	[tilespmem:s20+$0xFFFFFF00] =	vst v2  }
0x7a: {  	[hbm4b:s6+s4] =	stream.linear.scatter [tilespmem:s14], [sflag:$0x6], $0x4000, $0x38;
	[tilespmem:$0x1A400] =	vst v63  }
0x7b: {  	_ =	swait.ge [sflag:s23], $0x4000  }
0x7c: {  	[sflag:s23] =	ssyncset.done $0x0  }
0x7d: {  	s20 =	simm.s32 $0xA500;
	[sflag:s23] =	ssyncadd.s32 $0xFFFFC000  }
0x7e: {  	v0 =	vld [tilespmem:s20+$0xF0]  }
0x7f: {  	v1 =	vld [tilespmem:s20+$0xFFFFFF10]  }
0x80: {  	v2 =	vld [tilespmem:s20+$0xFFFFFF20]  }
0x81: {  	v3 =	vld [tilespmem:s20+$0xFFFFFF30]  }
0x82: {  	v6 =	vld [tilespmem:s20+$0xFFFFFF60]  }
0x83: {  	v4 =	vld [tilespmem:s20+$0xFFFFFF40]  }
0x84: {  	v5 =	vld [tilespmem:s20+$0xFFFFFF50];
	v0 =	vmul.f32 $1.131370830e+01, v0  }
0x85: {  	v8 =	vld [tilespmem:s20+$0xFFFFFF80];
	v1 =	vmul.f32 $1.131370830e+01, v1  }
0x86: {  	v7 =	vld [tilespmem:s20+$0xFFFFFF70];
	v2 =	vmul.f32 $1.131370830e+01, v2;
	[tilespmem:s20+$0xF0] =	vst v0  }
0x87: {  	v6 =	vmul.f32 $1.131370830e+01, v6;
	v0 =	vld [tilespmem:s20+$0xFFFFFF90];
	[tilespmem:s20+$0xFFFFFF10] =	vst v1  }
0x88: {  	v1 =	vmul.f32 $1.131370830e+01, v3;
	v3 =	vld [tilespmem:s20+$0xFFFFFFA0];
	[tilespmem:s20+$0xFFFFFF20] =	vst v2;
	v2 =	vmul.f32 $1.131370830e+01, v4  }
0x89: {  	[tilespmem:s20+$0xFFFFFF60] =	vst v6;
	v6 =	vld [tilespmem:s20+$0xFFFFFFF0]  }
0x8a: {  	v4 =	vld [tilespmem:s20+$0xFFFFFFB0];
	[tilespmem:s20+$0xFFFFFF40] =	vst v2;
	v2 =	vmul.f32 $1.131370830e+01, v8  }
0x8b: {  	[tilespmem:s20+$0xFFFFFF30] =	vst v1;
	v1 =	vmul.f32 $1.131370830e+01, v5;
	v5 =	vld [tilespmem:s20+$0xFFFFFFC0]  }
0x8c: {  	v8 =	vld [tilespmem:s20+$0xFFFFFFD0];
	[tilespmem:s20+$0xFFFFFF80] =	vst v2;
	v2 =	vmul.f32 $1.131370830e+01, v7  }
0x8d: {  	[tilespmem:s20+$0xFFFFFF50] =	vst v1;
	v1 =	vld [tilespmem:s20+$0xFFFFFFE0];
	v0 =	vmul.f32 $1.131370830e+01, v0  }
0x8e: {  	v7 =	vld [tilespmem:s20+$0x30];
	v6 =	vmul.f32 $1.131370830e+01, v6;
	[tilespmem:s20+$0xFFFFFF70] =	vst v2  }
0x8f: {  	v2 =	vmul.f32 $1.131370830e+01, v3;
	v3 =	vld [tilespmem:s20+$0x0];
	[tilespmem:s20+$0xFFFFFF90] =	vst v0  }
0x90: {  	v0 =	vmul.f32 $1.131370830e+01, v4;
	v4 =	vld [tilespmem:s20+$0x10];
	[tilespmem:s20+$0xFFFFFFF0] =	vst v6  }
0x91: {  	[tilespmem:s20+$0xFFFFFFA0] =	vst v2;
	v2 =	vmul.f32 $1.131370830e+01, v5;
	v5 =	vld [tilespmem:s20+$0x20]  }
0x92: {  	v6 =	vld [tilespmem:s20+$0x80];
	[tilespmem:s20+$0xFFFFFFB0] =	vst v0;
	v0 =	vmul.f32 $1.131370830e+01, v8  }
0x93: {  	v1 =	vmul.f32 $1.131370830e+01, v1;
	[tilespmem:s20+$0xFFFFFFC0] =	vst v2;
	v2 =	vld [tilespmem:s20+$0x40]  }
0x94: {  	[tilespmem:s20+$0xFFFFFFD0] =	vst v0;
	v0 =	vmul.f32 $1.131370830e+01, v3  }
0x95: {  	v3 =	vld [tilespmem:s20+$0x50];
	[tilespmem:s20+$0xFFFFFFE0] =	vst v1;
	v4 =	vmul.f32 $1.131370830e+01, v4  }
0x96: {  	v1 =	vld [tilespmem:s20+$0x60];
	[tilespmem:s20+$0x0] =	vst v0;
	v0 =	vmul.f32 $1.131370830e+01, v5  }
0x97: {  	v6 =	vmul.f32 $1.131370830e+01, v6;
	v5 =	vld [tilespmem:s20+$0x70];
	[tilespmem:s20+$0x10] =	vst v4  }
0x98: {  	v4 =	vmul.f32 $1.131370830e+01, v7;
	v7 =	vld [tilespmem:s20+$0x90];
	[tilespmem:s20+$0x20] =	vst v0;
	v0 =	vmul.f32 $1.131370830e+01, v2  }
0x99: {  	v8 =	vld [tilespmem:s20+$0xA0];
	[tilespmem:s20+$0x80] =	vst v6  }
0x9a: {  	v2 =	vmul.f32 $1.131370830e+01, v3;
	[tilespmem:s20+$0x40] =	vst v0;
	v0 =	vld [tilespmem:s20+$0xB0]  }
0x9b: {  	[tilespmem:s20+$0x30] =	vst v4;
	v3 =	vmul.f32 $1.131370830e+01, v1;
	v1 =	vld [tilespmem:s20+$0xC0]  }
0x9c: {  	[tilespmem:s20+$0x50] =	vst v2;
	v4 =	vmul.f32 $1.131370830e+01, v5;
	v2 =	vld [tilespmem:s20+$0xD0]  }
0x9d: {  	[tilespmem:s20+$0x60] =	vst v3;
	v3 =	vld [tilespmem:s20+$0xE0];
	v5 =	vmul.f32 $1.131370830e+01, v7  }
0x9e: {  	s11 =	simm.s32 $0xA700;
	s6 =	simm.s32 $0x0;
	v6 =	vmul.f32 $1.131370830e+01, v8;
	[tilespmem:s20+$0x70] =	vst v4;
	v4 =	vld [tilespmem:s20+$0xFFFFFF00]  }
.LBB2_5:
0x9f: {  	v7 =	vld [tilespmem:s11+$0xF0];
	s6 =	sadd.s32 $0x4, s6;
	[tilespmem:s20+$0x90] =	vst v5;
	v0 =	vmul.f32 $1.131370830e+01, v0  }
0xa0: {  	v5 =	vld [tilespmem:s11+$0xFFFFFF10];
	p0 =	slt.u32 s6, $0x7C;
	[tilespmem:s20+$0xA0] =	vst v6;
	v1 =	vmul.f32 $1.131370830e+01, v1  }
0xa1: {  	v6 =	vld [tilespmem:s11+$0xFFFFFF20];
	[tilespmem:s20+$0xB0] =	vst v0;
	v0 =	vmul.f32 $1.131370830e+01, v2  }
0xa2: {  	v2 =	vld [tilespmem:s11+$0xFFFFFF30];
	[tilespmem:s20+$0xC0] =	vst v1;
	v1 =	vmul.f32 $1.131370830e+01, v3  }
0xa3: {  	v3 =	vld [tilespmem:s11+$0xFFFFFF40];
	v4 =	vmul.f32 $1.131370830e+01, v4;
	[tilespmem:s20+$0xD0] =	vst v0  }
0xa4: {  	v0 =	vld [tilespmem:s11+$0xFFFFFF50];
	v7 =	vmul.f32 $1.131370830e+01, v7;
	[tilespmem:s20+$0xE0] =	vst v1  }
0xa5: {  	v1 =	vmul.f32 $1.131370830e+01, v5;
	v5 =	vld [tilespmem:s11+$0xFFFFFF60];
	[tilespmem:s20+$0xFFFFFF00] =	vst v4;
	s20 =	smov.u32 s11  }
0xa6: {  	v4 =	vmul.f32 $1.131370830e+01, v6;
	v6 =	vld [tilespmem:s11+$0xFFFFFF70];
	[tilespmem:s11+$0xF0] =	vst v7  }
0xa7: {  	[tilespmem:s11+$0xFFFFFF10] =	vst v1;
	v1 =	vmul.f32 $1.131370830e+01, v2;
	v2 =	vld [tilespmem:s11+$0xFFFFFF80]  }
0xa8: {  	[tilespmem:s11+$0xFFFFFF20] =	vst v4;
	v3 =	vmul.f32 $1.131370830e+01, v3;
	v4 =	vld [tilespmem:s11+$0xFFFFFF90]  }
0xa9: {  	[tilespmem:s11+$0xFFFFFF30] =	vst v1;
	v0 =	vmul.f32 $1.131370830e+01, v0;
	v1 =	vld [tilespmem:s11+$0xFFFFFFA0]  }
0xaa: {  	[tilespmem:s11+$0xFFFFFF40] =	vst v3;
	v3 =	vmul.f32 $1.131370830e+01, v5;
	v5 =	vld [tilespmem:s11+$0xFFFFFFB0]  }
0xab: {  	[tilespmem:s11+$0xFFFFFF50] =	vst v0;
	v0 =	vmul.f32 $1.131370830e+01, v6;
	v6 =	vld [tilespmem:s11+$0xFFFFFFC0]  }
0xac: {  	[tilespmem:s11+$0xFFFFFF60] =	vst v3;
	v2 =	vmul.f32 $1.131370830e+01, v2;
	v3 =	vld [tilespmem:s11+$0xFFFFFFD0]  }
0xad: {  	[tilespmem:s11+$0xFFFFFF70] =	vst v0;
	v0 =	vmul.f32 $1.131370830e+01, v4;
	v4 =	vld [tilespmem:s11+$0xFFFFFFE0]  }
0xae: {  	[tilespmem:s11+$0xFFFFFF80] =	vst v2;
	v1 =	vmul.f32 $1.131370830e+01, v1;
	v2 =	vld [tilespmem:s11+$0xFFFFFFF0]  }
0xaf: {  	[tilespmem:s11+$0xFFFFFF90] =	vst v0;
	v0 =	vmul.f32 $1.131370830e+01, v5;
	v5 =	vld [tilespmem:s11+$0x0]  }
0xb0: {  	[tilespmem:s11+$0xFFFFFFA0] =	vst v1;
	v1 =	vmul.f32 $1.131370830e+01, v6;
	v6 =	vld [tilespmem:s11+$0x10]  }
0xb1: {  	[tilespmem:s11+$0xFFFFFFB0] =	vst v0;
	v0 =	vmul.f32 $1.131370830e+01, v3;
	v3 =	vld [tilespmem:s11+$0x20]  }
0xb2: {  	[tilespmem:s11+$0xFFFFFFC0] =	vst v1;
	v1 =	vmul.f32 $1.131370830e+01, v4;
	v4 =	vld [tilespmem:s11+$0x30]  }
0xb3: {  	[tilespmem:s11+$0xFFFFFFD0] =	vst v0;
	v0 =	vmul.f32 $1.131370830e+01, v2;
	v2 =	vld [tilespmem:s11+$0x40]  }
0xb4: {  	[tilespmem:s11+$0xFFFFFFE0] =	vst v1;
	v1 =	vmul.f32 $1.131370830e+01, v5;
	v5 =	vld [tilespmem:s11+$0x50]  }
0xb5: {  	[tilespmem:s11+$0xFFFFFFF0] =	vst v0;
	v0 =	vmul.f32 $1.131370830e+01, v6;
	v6 =	vld [tilespmem:s11+$0x60]  }
0xb6: {  	[tilespmem:s11+$0x0] =	vst v1;
	v1 =	vmul.f32 $1.131370830e+01, v3;
	v3 =	vld [tilespmem:s11+$0x70]  }
0xb7: {  	[tilespmem:s11+$0x10] =	vst v0;
	v0 =	vmul.f32 $1.131370830e+01, v4;
	v4 =	vld [tilespmem:s11+$0x80]  }
0xb8: {  	[tilespmem:s11+$0x20] =	vst v1;
	v1 =	vmul.f32 $1.131370830e+01, v2;
	v7 =	vld [tilespmem:s11+$0x90]  }
0xb9: {  	[tilespmem:s11+$0x30] =	vst v0;
	v2 =	vmul.f32 $1.131370830e+01, v5;
	v8 =	vld [tilespmem:s11+$0xA0]  }
.Ltmp3:
0xba: {  	[tilespmem:s11+$0x40] =	vst v1;
	v5 =	vmul.f32 $1.131370830e+01, v6;
	v0 =	vld [tilespmem:s11+$0xB0];
	(pc) =	sbr.rel @p0 .LBB2_5-.Ltmp3, $4  }
0xbb: {  	[tilespmem:s11+$0x50] =	vst v2;
	v3 =	vmul.f32 $1.131370830e+01, v3;
	v1 =	vld [tilespmem:s11+$0xC0]  }
0xbc: {  	[tilespmem:s11+$0x60] =	vst v5;
	v6 =	vmul.f32 $1.131370830e+01, v4;
	v2 =	vld [tilespmem:s11+$0xD0]  }
0xbd: {  	[tilespmem:s11+$0x70] =	vst v3;
	v5 =	vmul.f32 $1.131370830e+01, v7;
	v3 =	vld [tilespmem:s11+$0xE0]  }
0xbe: {  	s11 =	sadd.s32 $0x200, s11;
	v4 =	vld [tilespmem:s20+$0xFFFFFF00];
	[tilespmem:s20+$0x80] =	vst v6;
	v6 =	vmul.f32 $1.131370830e+01, v8  }
0xbf: {  	[tilespmem:s20+$0x90] =	vst v5;
	v0 =	vmul.f32 $1.131370830e+01, v0  }
0xc0: {  	[tilespmem:s20+$0xA0] =	vst v6;
	v1 =	vmul.f32 $1.131370830e+01, v1  }
0xc1: {  	[tilespmem:s20+$0xB0] =	vst v0;
	v0 =	vmul.f32 $1.131370830e+01, v2  }
0xc2: {  	s6 =	sadd.s32 s18, s7;
	[tilespmem:s20+$0xC0] =	vst v1;
	v1 =	vmul.f32 $1.131370830e+01, v3  }
0xc3: {  	s6 =	sshll.u32 s6, $0xB;
	v2 =	vmul.f32 $1.131370830e+01, v4;
	[tilespmem:s20+$0xD0] =	vst v0  }
0xc4: {  	s6 =	sand.u32 $0x1FFFF800, s6;
	[tilespmem:s20+$0xE0] =	vst v1  }
0xc5: {  	s6 =	sadd.s32 s3, s6;
	[tilespmem:s20+$0xFFFFFF00] =	vst v2  }
0xc6: {  	[hbm4b:s6+s4] =	stream.linear.scatter [tilespmem:s15], [sflag:$0x7], $0x4000, $0x38;
	[tilespmem:$0x1A400] =	vst v63  }
0xc7: {  	_ =	swait.ge [sflag:s24], $0x4000  }
0xc8: {  	[sflag:s24] =	ssyncset.done $0x0  }
0xc9: {  	s20 =	simm.s32 $0xE500;
	[sflag:s24] =	ssyncadd.s32 $0xFFFFC000  }
0xca: {  	v0 =	vld [tilespmem:s20+$0xF0]  }
0xcb: {  	v1 =	vld [tilespmem:s20+$0xFFFFFF10]  }
0xcc: {  	v2 =	vld [tilespmem:s20+$0xFFFFFF20]  }
0xcd: {  	v3 =	vld [tilespmem:s20+$0xFFFFFF30]  }
0xce: {  	v6 =	vld [tilespmem:s20+$0xFFFFFF60]  }
0xcf: {  	v4 =	vld [tilespmem:s20+$0xFFFFFF40]  }
0xd0: {  	v5 =	vld [tilespmem:s20+$0xFFFFFF50];
	v0 =	vmul.f32 $1.131370830e+01, v0  }
0xd1: {  	v8 =	vld [tilespmem:s20+$0xFFFFFF80];
	v1 =	vmul.f32 $1.131370830e+01, v1  }
0xd2: {  	v7 =	vld [tilespmem:s20+$0xFFFFFF70];
	v2 =	vmul.f32 $1.131370830e+01, v2;
	[tilespmem:s20+$0xF0] =	vst v0  }
0xd3: {  	v6 =	vmul.f32 $1.131370830e+01, v6;
	v0 =	vld [tilespmem:s20+$0xFFFFFF90];
	[tilespmem:s20+$0xFFFFFF10] =	vst v1  }
0xd4: {  	v1 =	vmul.f32 $1.131370830e+01, v3;
	v3 =	vld [tilespmem:s20+$0xFFFFFFA0];
	[tilespmem:s20+$0xFFFFFF20] =	vst v2;
	v2 =	vmul.f32 $1.131370830e+01, v4  }
0xd5: {  	[tilespmem:s20+$0xFFFFFF60] =	vst v6;
	v6 =	vld [tilespmem:s20+$0xFFFFFFF0]  }
0xd6: {  	v4 =	vld [tilespmem:s20+$0xFFFFFFB0];
	[tilespmem:s20+$0xFFFFFF40] =	vst v2;
	v2 =	vmul.f32 $1.131370830e+01, v8  }
0xd7: {  	[tilespmem:s20+$0xFFFFFF30] =	vst v1;
	v1 =	vmul.f32 $1.131370830e+01, v5;
	v5 =	vld [tilespmem:s20+$0xFFFFFFC0]  }
0xd8: {  	v8 =	vld [tilespmem:s20+$0xFFFFFFD0];
	[tilespmem:s20+$0xFFFFFF80] =	vst v2;
	v2 =	vmul.f32 $1.131370830e+01, v7  }
0xd9: {  	[tilespmem:s20+$0xFFFFFF50] =	vst v1;
	v1 =	vld [tilespmem:s20+$0xFFFFFFE0];
	v0 =	vmul.f32 $1.131370830e+01, v0  }
0xda: {  	v7 =	vld [tilespmem:s20+$0x30];
	v6 =	vmul.f32 $1.131370830e+01, v6;
	[tilespmem:s20+$0xFFFFFF70] =	vst v2  }
0xdb: {  	v2 =	vmul.f32 $1.131370830e+01, v3;
	v3 =	vld [tilespmem:s20+$0x0];
	[tilespmem:s20+$0xFFFFFF90] =	vst v0  }
0xdc: {  	v0 =	vmul.f32 $1.131370830e+01, v4;
	v4 =	vld [tilespmem:s20+$0x10];
	[tilespmem:s20+$0xFFFFFFF0] =	vst v6  }
0xdd: {  	[tilespmem:s20+$0xFFFFFFA0] =	vst v2;
	v2 =	vmul.f32 $1.131370830e+01, v5;
	v5 =	vld [tilespmem:s20+$0x20]  }
0xde: {  	v6 =	vld [tilespmem:s20+$0x80];
	[tilespmem:s20+$0xFFFFFFB0] =	vst v0;
	v0 =	vmul.f32 $1.131370830e+01, v8  }
0xdf: {  	v1 =	vmul.f32 $1.131370830e+01, v1;
	[tilespmem:s20+$0xFFFFFFC0] =	vst v2;
	v2 =	vld [tilespmem:s20+$0x40]  }
0xe0: {  	[tilespmem:s20+$0xFFFFFFD0] =	vst v0;
	v0 =	vmul.f32 $1.131370830e+01, v3  }
0xe1: {  	v3 =	vld [tilespmem:s20+$0x50];
	[tilespmem:s20+$0xFFFFFFE0] =	vst v1;
	v4 =	vmul.f32 $1.131370830e+01, v4  }
0xe2: {  	v1 =	vld [tilespmem:s20+$0x60];
	[tilespmem:s20+$0x0] =	vst v0;
	v0 =	vmul.f32 $1.131370830e+01, v5  }
0xe3: {  	v6 =	vmul.f32 $1.131370830e+01, v6;
	v5 =	vld [tilespmem:s20+$0x70];
	[tilespmem:s20+$0x10] =	vst v4  }
0xe4: {  	v4 =	vmul.f32 $1.131370830e+01, v7;
	v7 =	vld [tilespmem:s20+$0x90];
	[tilespmem:s20+$0x20] =	vst v0;
	v0 =	vmul.f32 $1.131370830e+01, v2  }
0xe5: {  	v8 =	vld [tilespmem:s20+$0xA0];
	[tilespmem:s20+$0x80] =	vst v6  }
0xe6: {  	v2 =	vmul.f32 $1.131370830e+01, v3;
	[tilespmem:s20+$0x40] =	vst v0;
	v0 =	vld [tilespmem:s20+$0xB0]  }
0xe7: {  	[tilespmem:s20+$0x30] =	vst v4;
	v3 =	vmul.f32 $1.131370830e+01, v1;
	v1 =	vld [tilespmem:s20+$0xC0]  }
0xe8: {  	[tilespmem:s20+$0x50] =	vst v2;
	v4 =	vmul.f32 $1.131370830e+01, v5;
	v2 =	vld [tilespmem:s20+$0xD0]  }
0xe9: {  	[tilespmem:s20+$0x60] =	vst v3;
	v3 =	vld [tilespmem:s20+$0xE0];
	v5 =	vmul.f32 $1.131370830e+01, v7  }
0xea: {  	s11 =	simm.s32 $0xE700;
	s6 =	simm.s32 $0x0;
	v6 =	vmul.f32 $1.131370830e+01, v8;
	[tilespmem:s20+$0x70] =	vst v4;
	v4 =	vld [tilespmem:s20+$0xFFFFFF00]  }
.LBB2_7:
0xeb: {  	v7 =	vld [tilespmem:s11+$0xF0];
	s6 =	sadd.s32 $0x4, s6;
	[tilespmem:s20+$0x90] =	vst v5;
	v0 =	vmul.f32 $1.131370830e+01, v0  }
0xec: {  	v5 =	vld [tilespmem:s11+$0xFFFFFF10];
	p0 =	slt.u32 s6, $0x7C;
	[tilespmem:s20+$0xA0] =	vst v6;
	v1 =	vmul.f32 $1.131370830e+01, v1  }
0xed: {  	v6 =	vld [tilespmem:s11+$0xFFFFFF20];
	[tilespmem:s20+$0xB0] =	vst v0;
	v0 =	vmul.f32 $1.131370830e+01, v2  }
0xee: {  	v2 =	vld [tilespmem:s11+$0xFFFFFF30];
	[tilespmem:s20+$0xC0] =	vst v1;
	v1 =	vmul.f32 $1.131370830e+01, v3  }
0xef: {  	v3 =	vld [tilespmem:s11+$0xFFFFFF40];
	v4 =	vmul.f32 $1.131370830e+01, v4;
	[tilespmem:s20+$0xD0] =	vst v0  }
0xf0: {  	v0 =	vld [tilespmem:s11+$0xFFFFFF50];
	v7 =	vmul.f32 $1.131370830e+01, v7;
	[tilespmem:s20+$0xE0] =	vst v1  }
0xf1: {  	v1 =	vmul.f32 $1.131370830e+01, v5;
	v5 =	vld [tilespmem:s11+$0xFFFFFF60];
	[tilespmem:s20+$0xFFFFFF00] =	vst v4;
	s20 =	smov.u32 s11  }
0xf2: {  	v4 =	vmul.f32 $1.131370830e+01, v6;
	v6 =	vld [tilespmem:s11+$0xFFFFFF70];
	[tilespmem:s11+$0xF0] =	vst v7  }
0xf3: {  	[tilespmem:s11+$0xFFFFFF10] =	vst v1;
	v1 =	vmul.f32 $1.131370830e+01, v2;
	v2 =	vld [tilespmem:s11+$0xFFFFFF80]  }
0xf4: {  	[tilespmem:s11+$0xFFFFFF20] =	vst v4;
	v3 =	vmul.f32 $1.131370830e+01, v3;
	v4 =	vld [tilespmem:s11+$0xFFFFFF90]  }
0xf5: {  	[tilespmem:s11+$0xFFFFFF30] =	vst v1;
	v0 =	vmul.f32 $1.131370830e+01, v0;
	v1 =	vld [tilespmem:s11+$0xFFFFFFA0]  }
0xf6: {  	[tilespmem:s11+$0xFFFFFF40] =	vst v3;
	v3 =	vmul.f32 $1.131370830e+01, v5;
	v5 =	vld [tilespmem:s11+$0xFFFFFFB0]  }
0xf7: {  	[tilespmem:s11+$0xFFFFFF50] =	vst v0;
	v0 =	vmul.f32 $1.131370830e+01, v6;
	v6 =	vld [tilespmem:s11+$0xFFFFFFC0]  }
0xf8: {  	[tilespmem:s11+$0xFFFFFF60] =	vst v3;
	v2 =	vmul.f32 $1.131370830e+01, v2;
	v3 =	vld [tilespmem:s11+$0xFFFFFFD0]  }
0xf9: {  	[tilespmem:s11+$0xFFFFFF70] =	vst v0;
	v0 =	vmul.f32 $1.131370830e+01, v4;
	v4 =	vld [tilespmem:s11+$0xFFFFFFE0]  }
0xfa: {  	[tilespmem:s11+$0xFFFFFF80] =	vst v2;
	v1 =	vmul.f32 $1.131370830e+01, v1;
	v2 =	vld [tilespmem:s11+$0xFFFFFFF0]  }
0xfb: {  	[tilespmem:s11+$0xFFFFFF90] =	vst v0;
	v0 =	vmul.f32 $1.131370830e+01, v5;
	v5 =	vld [tilespmem:s11+$0x0]  }
0xfc: {  	[tilespmem:s11+$0xFFFFFFA0] =	vst v1;
	v1 =	vmul.f32 $1.131370830e+01, v6;
	v6 =	vld [tilespmem:s11+$0x10]  }
0xfd: {  	[tilespmem:s11+$0xFFFFFFB0] =	vst v0;
	v0 =	vmul.f32 $1.131370830e+01, v3;
	v3 =	vld [tilespmem:s11+$0x20]  }
0xfe: {  	[tilespmem:s11+$0xFFFFFFC0] =	vst v1;
	v1 =	vmul.f32 $1.131370830e+01, v4;
	v4 =	vld [tilespmem:s11+$0x30]  }
0xff: {  	[tilespmem:s11+$0xFFFFFFD0] =	vst v0;
	v0 =	vmul.f32 $1.131370830e+01, v2;
	v2 =	vld [tilespmem:s11+$0x40]  }
0x100: {  	[tilespmem:s11+$0xFFFFFFE0] =	vst v1;
	v1 =	vmul.f32 $1.131370830e+01, v5;
	v5 =	vld [tilespmem:s11+$0x50]  }
0x101: {  	[tilespmem:s11+$0xFFFFFFF0] =	vst v0;
	v0 =	vmul.f32 $1.131370830e+01, v6;
	v6 =	vld [tilespmem:s11+$0x60]  }
0x102: {  	[tilespmem:s11+$0x0] =	vst v1;
	v1 =	vmul.f32 $1.131370830e+01, v3;
	v3 =	vld [tilespmem:s11+$0x70]  }
0x103: {  	[tilespmem:s11+$0x10] =	vst v0;
	v0 =	vmul.f32 $1.131370830e+01, v4;
	v4 =	vld [tilespmem:s11+$0x80]  }
0x104: {  	[tilespmem:s11+$0x20] =	vst v1;
	v1 =	vmul.f32 $1.131370830e+01, v2;
	v7 =	vld [tilespmem:s11+$0x90]  }
0x105: {  	[tilespmem:s11+$0x30] =	vst v0;
	v2 =	vmul.f32 $1.131370830e+01, v5;
	v8 =	vld [tilespmem:s11+$0xA0]  }
.Ltmp4:
0x106: {  	[tilespmem:s11+$0x40] =	vst v1;
	v5 =	vmul.f32 $1.131370830e+01, v6;
	v0 =	vld [tilespmem:s11+$0xB0];
	(pc) =	sbr.rel @p0 .LBB2_7-.Ltmp4, $4  }
0x107: {  	[tilespmem:s11+$0x50] =	vst v2;
	v3 =	vmul.f32 $1.131370830e+01, v3;
	v1 =	vld [tilespmem:s11+$0xC0]  }
0x108: {  	[tilespmem:s11+$0x60] =	vst v5;
	v6 =	vmul.f32 $1.131370830e+01, v4;
	v2 =	vld [tilespmem:s11+$0xD0]  }
0x109: {  	[tilespmem:s11+$0x70] =	vst v3;
	v5 =	vmul.f32 $1.131370830e+01, v7;
	v3 =	vld [tilespmem:s11+$0xE0]  }
0x10a: {  	s11 =	sadd.s32 $0x200, s11;
	v4 =	vld [tilespmem:s20+$0xFFFFFF00];
	[tilespmem:s20+$0x80] =	vst v6;
	v6 =	vmul.f32 $1.131370830e+01, v8  }
0x10b: {  	[tilespmem:s20+$0x90] =	vst v5;
	v0 =	vmul.f32 $1.131370830e+01, v0  }
0x10c: {  	[tilespmem:s20+$0xA0] =	vst v6;
	v1 =	vmul.f32 $1.131370830e+01, v1  }
0x10d: {  	[tilespmem:s20+$0xB0] =	vst v0;
	v0 =	vmul.f32 $1.131370830e+01, v2  }
0x10e: {  	s6 =	sadd.s32 s18, s8;
	[tilespmem:s20+$0xC0] =	vst v1;
	v1 =	vmul.f32 $1.131370830e+01, v3  }
0x10f: {  	s6 =	sshll.u32 s6, $0xB;
	v2 =	vmul.f32 $1.131370830e+01, v4;
	[tilespmem:s20+$0xD0] =	vst v0  }
0x110: {  	s6 =	sand.u32 $0x1FFFF800, s6;
	[tilespmem:s20+$0xE0] =	vst v1  }
0x111: {  	s6 =	sadd.s32 s3, s6;
	[tilespmem:s20+$0xFFFFFF00] =	vst v2  }
0x112: {  	[hbm4b:s6+s4] =	stream.linear.scatter [tilespmem:s17], [sflag:$0x8], $0x4000, $0x38;
	[tilespmem:$0x1A400] =	vst v63  }
0x113: {  	_ =	swait.ge [sflag:s25], $0x4000  }
0x114: {  	[sflag:s25] =	ssyncset.done $0x0  }
0x115: {  	s20 =	simm.s32 $0x12500;
	[sflag:s25] =	ssyncadd.s32 $0xFFFFC000  }
0x116: {  	v0 =	vld [tilespmem:s20+$0xF0]  }
0x117: {  	v1 =	vld [tilespmem:s20+$0xFFFFFF10]  }
0x118: {  	v2 =	vld [tilespmem:s20+$0xFFFFFF20]  }
0x119: {  	v3 =	vld [tilespmem:s20+$0xFFFFFF30]  }
0x11a: {  	v6 =	vld [tilespmem:s20+$0xFFFFFF60]  }
0x11b: {  	v4 =	vld [tilespmem:s20+$0xFFFFFF40]  }
0x11c: {  	v5 =	vld [tilespmem:s20+$0xFFFFFF50];
	v0 =	vmul.f32 $1.131370830e+01, v0  }
0x11d: {  	v8 =	vld [tilespmem:s20+$0xFFFFFF80];
	v1 =	vmul.f32 $1.131370830e+01, v1  }
0x11e: {  	v7 =	vld [tilespmem:s20+$0xFFFFFF70];
	v2 =	vmul.f32 $1.131370830e+01, v2;
	[tilespmem:s20+$0xF0] =	vst v0  }
0x11f: {  	v6 =	vmul.f32 $1.131370830e+01, v6;
	v0 =	vld [tilespmem:s20+$0xFFFFFF90];
	[tilespmem:s20+$0xFFFFFF10] =	vst v1  }
0x120: {  	v1 =	vmul.f32 $1.131370830e+01, v3;
	v3 =	vld [tilespmem:s20+$0xFFFFFFA0];
	[tilespmem:s20+$0xFFFFFF20] =	vst v2;
	v2 =	vmul.f32 $1.131370830e+01, v4  }
0x121: {  	[tilespmem:s20+$0xFFFFFF60] =	vst v6;
	v6 =	vld [tilespmem:s20+$0xFFFFFFF0]  }
0x122: {  	v4 =	vld [tilespmem:s20+$0xFFFFFFB0];
	[tilespmem:s20+$0xFFFFFF40] =	vst v2;
	v2 =	vmul.f32 $1.131370830e+01, v8  }
0x123: {  	[tilespmem:s20+$0xFFFFFF30] =	vst v1;
	v1 =	vmul.f32 $1.131370830e+01, v5;
	v5 =	vld [tilespmem:s20+$0xFFFFFFC0]  }
0x124: {  	v8 =	vld [tilespmem:s20+$0xFFFFFFD0];
	[tilespmem:s20+$0xFFFFFF80] =	vst v2;
	v2 =	vmul.f32 $1.131370830e+01, v7  }
0x125: {  	[tilespmem:s20+$0xFFFFFF50] =	vst v1;
	v1 =	vld [tilespmem:s20+$0xFFFFFFE0];
	v0 =	vmul.f32 $1.131370830e+01, v0  }
0x126: {  	v7 =	vld [tilespmem:s20+$0x30];
	v6 =	vmul.f32 $1.131370830e+01, v6;
	[tilespmem:s20+$0xFFFFFF70] =	vst v2  }
0x127: {  	v2 =	vmul.f32 $1.131370830e+01, v3;
	v3 =	vld [tilespmem:s20+$0x0];
	[tilespmem:s20+$0xFFFFFF90] =	vst v0  }
0x128: {  	v0 =	vmul.f32 $1.131370830e+01, v4;
	v4 =	vld [tilespmem:s20+$0x10];
	[tilespmem:s20+$0xFFFFFFF0] =	vst v6  }
0x129: {  	[tilespmem:s20+$0xFFFFFFA0] =	vst v2;
	v2 =	vmul.f32 $1.131370830e+01, v5;
	v5 =	vld [tilespmem:s20+$0x20]  }
0x12a: {  	v6 =	vld [tilespmem:s20+$0x80];
	[tilespmem:s20+$0xFFFFFFB0] =	vst v0;
	v0 =	vmul.f32 $1.131370830e+01, v8  }
0x12b: {  	v1 =	vmul.f32 $1.131370830e+01, v1;
	[tilespmem:s20+$0xFFFFFFC0] =	vst v2;
	v2 =	vld [tilespmem:s20+$0x40]  }
0x12c: {  	[tilespmem:s20+$0xFFFFFFD0] =	vst v0;
	v0 =	vmul.f32 $1.131370830e+01, v3  }
0x12d: {  	v3 =	vld [tilespmem:s20+$0x50];
	[tilespmem:s20+$0xFFFFFFE0] =	vst v1;
	v4 =	vmul.f32 $1.131370830e+01, v4  }
0x12e: {  	v1 =	vld [tilespmem:s20+$0x60];
	[tilespmem:s20+$0x0] =	vst v0;
	v0 =	vmul.f32 $1.131370830e+01, v5  }
0x12f: {  	v6 =	vmul.f32 $1.131370830e+01, v6;
	v5 =	vld [tilespmem:s20+$0x70];
	[tilespmem:s20+$0x10] =	vst v4  }
0x130: {  	v4 =	vmul.f32 $1.131370830e+01, v7;
	v7 =	vld [tilespmem:s20+$0x90];
	[tilespmem:s20+$0x20] =	vst v0;
	v0 =	vmul.f32 $1.131370830e+01, v2  }
0x131: {  	v8 =	vld [tilespmem:s20+$0xA0];
	[tilespmem:s20+$0x80] =	vst v6  }
0x132: {  	v2 =	vmul.f32 $1.131370830e+01, v3;
	[tilespmem:s20+$0x40] =	vst v0;
	v0 =	vld [tilespmem:s20+$0xB0]  }
0x133: {  	[tilespmem:s20+$0x30] =	vst v4;
	v3 =	vmul.f32 $1.131370830e+01, v1;
	v1 =	vld [tilespmem:s20+$0xC0]  }
0x134: {  	[tilespmem:s20+$0x50] =	vst v2;
	v4 =	vmul.f32 $1.131370830e+01, v5;
	v2 =	vld [tilespmem:s20+$0xD0]  }
0x135: {  	[tilespmem:s20+$0x60] =	vst v3;
	v3 =	vld [tilespmem:s20+$0xE0];
	v5 =	vmul.f32 $1.131370830e+01, v7  }
0x136: {  	s11 =	simm.s32 $0x12700;
	s6 =	simm.s32 $0x0;
	v6 =	vmul.f32 $1.131370830e+01, v8;
	[tilespmem:s20+$0x70] =	vst v4;
	v4 =	vld [tilespmem:s20+$0xFFFFFF00]  }
.LBB2_9:
0x137: {  	v7 =	vld [tilespmem:s11+$0xF0];
	s6 =	sadd.s32 $0x4, s6;
	[tilespmem:s20+$0x90] =	vst v5;
	v0 =	vmul.f32 $1.131370830e+01, v0  }
0x138: {  	v5 =	vld [tilespmem:s11+$0xFFFFFF10];
	p0 =	slt.u32 s6, $0x7C;
	[tilespmem:s20+$0xA0] =	vst v6;
	v1 =	vmul.f32 $1.131370830e+01, v1  }
0x139: {  	v6 =	vld [tilespmem:s11+$0xFFFFFF20];
	[tilespmem:s20+$0xB0] =	vst v0;
	v0 =	vmul.f32 $1.131370830e+01, v2  }
0x13a: {  	v2 =	vld [tilespmem:s11+$0xFFFFFF30];
	[tilespmem:s20+$0xC0] =	vst v1;
	v1 =	vmul.f32 $1.131370830e+01, v3  }
0x13b: {  	v3 =	vld [tilespmem:s11+$0xFFFFFF40];
	v4 =	vmul.f32 $1.131370830e+01, v4;
	[tilespmem:s20+$0xD0] =	vst v0  }
0x13c: {  	v0 =	vld [tilespmem:s11+$0xFFFFFF50];
	v7 =	vmul.f32 $1.131370830e+01, v7;
	[tilespmem:s20+$0xE0] =	vst v1  }
0x13d: {  	v1 =	vmul.f32 $1.131370830e+01, v5;
	v5 =	vld [tilespmem:s11+$0xFFFFFF60];
	[tilespmem:s20+$0xFFFFFF00] =	vst v4;
	s20 =	smov.u32 s11  }
0x13e: {  	v4 =	vmul.f32 $1.131370830e+01, v6;
	v6 =	vld [tilespmem:s11+$0xFFFFFF70];
	[tilespmem:s11+$0xF0] =	vst v7  }
0x13f: {  	[tilespmem:s11+$0xFFFFFF10] =	vst v1;
	v1 =	vmul.f32 $1.131370830e+01, v2;
	v2 =	vld [tilespmem:s11+$0xFFFFFF80]  }
0x140: {  	[tilespmem:s11+$0xFFFFFF20] =	vst v4;
	v3 =	vmul.f32 $1.131370830e+01, v3;
	v4 =	vld [tilespmem:s11+$0xFFFFFF90]  }
0x141: {  	[tilespmem:s11+$0xFFFFFF30] =	vst v1;
	v0 =	vmul.f32 $1.131370830e+01, v0;
	v1 =	vld [tilespmem:s11+$0xFFFFFFA0]  }
0x142: {  	[tilespmem:s11+$0xFFFFFF40] =	vst v3;
	v3 =	vmul.f32 $1.131370830e+01, v5;
	v5 =	vld [tilespmem:s11+$0xFFFFFFB0]  }
0x143: {  	[tilespmem:s11+$0xFFFFFF50] =	vst v0;
	v0 =	vmul.f32 $1.131370830e+01, v6;
	v6 =	vld [tilespmem:s11+$0xFFFFFFC0]  }
0x144: {  	[tilespmem:s11+$0xFFFFFF60] =	vst v3;
	v2 =	vmul.f32 $1.131370830e+01, v2;
	v3 =	vld [tilespmem:s11+$0xFFFFFFD0]  }
0x145: {  	[tilespmem:s11+$0xFFFFFF70] =	vst v0;
	v0 =	vmul.f32 $1.131370830e+01, v4;
	v4 =	vld [tilespmem:s11+$0xFFFFFFE0]  }
0x146: {  	[tilespmem:s11+$0xFFFFFF80] =	vst v2;
	v1 =	vmul.f32 $1.131370830e+01, v1;
	v2 =	vld [tilespmem:s11+$0xFFFFFFF0]  }
0x147: {  	[tilespmem:s11+$0xFFFFFF90] =	vst v0;
	v0 =	vmul.f32 $1.131370830e+01, v5;
	v5 =	vld [tilespmem:s11+$0x0]  }
0x148: {  	[tilespmem:s11+$0xFFFFFFA0] =	vst v1;
	v1 =	vmul.f32 $1.131370830e+01, v6;
	v6 =	vld [tilespmem:s11+$0x10]  }
0x149: {  	[tilespmem:s11+$0xFFFFFFB0] =	vst v0;
	v0 =	vmul.f32 $1.131370830e+01, v3;
	v3 =	vld [tilespmem:s11+$0x20]  }
0x14a: {  	[tilespmem:s11+$0xFFFFFFC0] =	vst v1;
	v1 =	vmul.f32 $1.131370830e+01, v4;
	v4 =	vld [tilespmem:s11+$0x30]  }
0x14b: {  	[tilespmem:s11+$0xFFFFFFD0] =	vst v0;
	v0 =	vmul.f32 $1.131370830e+01, v2;
	v2 =	vld [tilespmem:s11+$0x40]  }
0x14c: {  	[tilespmem:s11+$0xFFFFFFE0] =	vst v1;
	v1 =	vmul.f32 $1.131370830e+01, v5;
	v5 =	vld [tilespmem:s11+$0x50]  }
0x14d: {  	[tilespmem:s11+$0xFFFFFFF0] =	vst v0;
	v0 =	vmul.f32 $1.131370830e+01, v6;
	v6 =	vld [tilespmem:s11+$0x60]  }
0x14e: {  	[tilespmem:s11+$0x0] =	vst v1;
	v1 =	vmul.f32 $1.131370830e+01, v3;
	v3 =	vld [tilespmem:s11+$0x70]  }
0x14f: {  	[tilespmem:s11+$0x10] =	vst v0;
	v0 =	vmul.f32 $1.131370830e+01, v4;
	v4 =	vld [tilespmem:s11+$0x80]  }
0x150: {  	[tilespmem:s11+$0x20] =	vst v1;
	v1 =	vmul.f32 $1.131370830e+01, v2;
	v7 =	vld [tilespmem:s11+$0x90]  }
0x151: {  	[tilespmem:s11+$0x30] =	vst v0;
	v2 =	vmul.f32 $1.131370830e+01, v5;
	v8 =	vld [tilespmem:s11+$0xA0]  }
.Ltmp5:
0x152: {  	[tilespmem:s11+$0x40] =	vst v1;
	v5 =	vmul.f32 $1.131370830e+01, v6;
	v0 =	vld [tilespmem:s11+$0xB0];
	(pc) =	sbr.rel @p0 .LBB2_9-.Ltmp5, $4  }
0x153: {  	[tilespmem:s11+$0x50] =	vst v2;
	v3 =	vmul.f32 $1.131370830e+01, v3;
	v1 =	vld [tilespmem:s11+$0xC0]  }
0x154: {  	[tilespmem:s11+$0x60] =	vst v5;
	v6 =	vmul.f32 $1.131370830e+01, v4;
	v2 =	vld [tilespmem:s11+$0xD0]  }
0x155: {  	[tilespmem:s11+$0x70] =	vst v3;
	v5 =	vmul.f32 $1.131370830e+01, v7;
	v3 =	vld [tilespmem:s11+$0xE0]  }
0x156: {  	s11 =	sadd.s32 $0x200, s11;
	v4 =	vld [tilespmem:s20+$0xFFFFFF00];
	[tilespmem:s20+$0x80] =	vst v6;
	v6 =	vmul.f32 $1.131370830e+01, v8  }
0x157: {  	[tilespmem:s20+$0x90] =	vst v5;
	v0 =	vmul.f32 $1.131370830e+01, v0  }
0x158: {  	[tilespmem:s20+$0xA0] =	vst v6;
	v1 =	vmul.f32 $1.131370830e+01, v1  }
0x159: {  	[tilespmem:s20+$0xB0] =	vst v0;
	v0 =	vmul.f32 $1.131370830e+01, v2  }
0x15a: {  	s6 =	sadd.s32 s18, s9;
	[tilespmem:s20+$0xC0] =	vst v1;
	v1 =	vmul.f32 $1.131370830e+01, v3  }
0x15b: {  	s6 =	sshll.u32 s6, $0xB;
	v2 =	vmul.f32 $1.131370830e+01, v4;
	[tilespmem:s20+$0xD0] =	vst v0  }
0x15c: {  	s6 =	sand.u32 $0x1FFFF800, s6;
	[tilespmem:s20+$0xE0] =	vst v1  }
0x15d: {  	s6 =	sadd.s32 s3, s6;
	[tilespmem:s20+$0xFFFFFF00] =	vst v2  }
0x15e: {  	[hbm4b:s6+s4] =	stream.linear.scatter [tilespmem:s19], [sflag:$0x9], $0x4000, $0x38;
	[tilespmem:$0x1A400] =	vst v63  }
0x15f: {  	_ =	swait.ge [sflag:s26], $0x4000  }
0x160: {  	[sflag:s26] =	ssyncset.done $0x0  }
0x161: {  	s20 =	simm.s32 $0x16500;
	[sflag:s26] =	ssyncadd.s32 $0xFFFFC000  }
0x162: {  	v0 =	vld [tilespmem:s20+$0xF0]  }
0x163: {  	v1 =	vld [tilespmem:s20+$0xFFFFFF10]  }
0x164: {  	v2 =	vld [tilespmem:s20+$0xFFFFFF20]  }
0x165: {  	v3 =	vld [tilespmem:s20+$0xFFFFFF30]  }
0x166: {  	v6 =	vld [tilespmem:s20+$0xFFFFFF60]  }
0x167: {  	v4 =	vld [tilespmem:s20+$0xFFFFFF40]  }
0x168: {  	v5 =	vld [tilespmem:s20+$0xFFFFFF50];
	v0 =	vmul.f32 $1.131370830e+01, v0  }
0x169: {  	v8 =	vld [tilespmem:s20+$0xFFFFFF80];
	v1 =	vmul.f32 $1.131370830e+01, v1  }
0x16a: {  	v7 =	vld [tilespmem:s20+$0xFFFFFF70];
	v2 =	vmul.f32 $1.131370830e+01, v2;
	[tilespmem:s20+$0xF0] =	vst v0  }
0x16b: {  	v6 =	vmul.f32 $1.131370830e+01, v6;
	v0 =	vld [tilespmem:s20+$0xFFFFFF90];
	[tilespmem:s20+$0xFFFFFF10] =	vst v1  }
0x16c: {  	v1 =	vmul.f32 $1.131370830e+01, v3;
	v3 =	vld [tilespmem:s20+$0xFFFFFFA0];
	[tilespmem:s20+$0xFFFFFF20] =	vst v2;
	v2 =	vmul.f32 $1.131370830e+01, v4  }
0x16d: {  	[tilespmem:s20+$0xFFFFFF60] =	vst v6;
	v6 =	vld [tilespmem:s20+$0xFFFFFFF0]  }
0x16e: {  	v4 =	vld [tilespmem:s20+$0xFFFFFFB0];
	[tilespmem:s20+$0xFFFFFF40] =	vst v2;
	v2 =	vmul.f32 $1.131370830e+01, v8  }
0x16f: {  	[tilespmem:s20+$0xFFFFFF30] =	vst v1;
	v1 =	vmul.f32 $1.131370830e+01, v5;
	v5 =	vld [tilespmem:s20+$0xFFFFFFC0]  }
0x170: {  	v8 =	vld [tilespmem:s20+$0xFFFFFFD0];
	[tilespmem:s20+$0xFFFFFF80] =	vst v2;
	v2 =	vmul.f32 $1.131370830e+01, v7  }
0x171: {  	[tilespmem:s20+$0xFFFFFF50] =	vst v1;
	v1 =	vld [tilespmem:s20+$0xFFFFFFE0];
	v0 =	vmul.f32 $1.131370830e+01, v0  }
0x172: {  	v7 =	vld [tilespmem:s20+$0x30];
	v6 =	vmul.f32 $1.131370830e+01, v6;
	[tilespmem:s20+$0xFFFFFF70] =	vst v2  }
0x173: {  	v2 =	vmul.f32 $1.131370830e+01, v3;
	v3 =	vld [tilespmem:s20+$0x0];
	[tilespmem:s20+$0xFFFFFF90] =	vst v0  }
0x174: {  	v0 =	vmul.f32 $1.131370830e+01, v4;
	v4 =	vld [tilespmem:s20+$0x10];
	[tilespmem:s20+$0xFFFFFFF0] =	vst v6  }
0x175: {  	[tilespmem:s20+$0xFFFFFFA0] =	vst v2;
	v2 =	vmul.f32 $1.131370830e+01, v5;
	v5 =	vld [tilespmem:s20+$0x20]  }
0x176: {  	v6 =	vld [tilespmem:s20+$0x80];
	[tilespmem:s20+$0xFFFFFFB0] =	vst v0;
	v0 =	vmul.f32 $1.131370830e+01, v8  }
0x177: {  	v1 =	vmul.f32 $1.131370830e+01, v1;
	[tilespmem:s20+$0xFFFFFFC0] =	vst v2;
	v2 =	vld [tilespmem:s20+$0x40]  }
0x178: {  	[tilespmem:s20+$0xFFFFFFD0] =	vst v0;
	v0 =	vmul.f32 $1.131370830e+01, v3  }
0x179: {  	v3 =	vld [tilespmem:s20+$0x50];
	[tilespmem:s20+$0xFFFFFFE0] =	vst v1;
	v4 =	vmul.f32 $1.131370830e+01, v4  }
0x17a: {  	v1 =	vld [tilespmem:s20+$0x60];
	[tilespmem:s20+$0x0] =	vst v0;
	v0 =	vmul.f32 $1.131370830e+01, v5  }
0x17b: {  	v6 =	vmul.f32 $1.131370830e+01, v6;
	v5 =	vld [tilespmem:s20+$0x70];
	[tilespmem:s20+$0x10] =	vst v4  }
0x17c: {  	v4 =	vmul.f32 $1.131370830e+01, v7;
	v7 =	vld [tilespmem:s20+$0x90];
	[tilespmem:s20+$0x20] =	vst v0;
	v0 =	vmul.f32 $1.131370830e+01, v2  }
0x17d: {  	v8 =	vld [tilespmem:s20+$0xA0];
	[tilespmem:s20+$0x80] =	vst v6  }
0x17e: {  	v2 =	vmul.f32 $1.131370830e+01, v3;
	[tilespmem:s20+$0x40] =	vst v0;
	v0 =	vld [tilespmem:s20+$0xB0]  }
0x17f: {  	[tilespmem:s20+$0x30] =	vst v4;
	v3 =	vmul.f32 $1.131370830e+01, v1;
	v1 =	vld [tilespmem:s20+$0xC0]  }
0x180: {  	[tilespmem:s20+$0x50] =	vst v2;
	v4 =	vmul.f32 $1.131370830e+01, v5;
	v2 =	vld [tilespmem:s20+$0xD0]  }
0x181: {  	[tilespmem:s20+$0x60] =	vst v3;
	v3 =	vld [tilespmem:s20+$0xE0];
	v5 =	vmul.f32 $1.131370830e+01, v7  }
0x182: {  	s11 =	simm.s32 $0x16700;
	s6 =	simm.s32 $0x0;
	v6 =	vmul.f32 $1.131370830e+01, v8;
	[tilespmem:s20+$0x70] =	vst v4;
	v4 =	vld [tilespmem:s20+$0xFFFFFF00]  }
.LBB2_11:
0x183: {  	v7 =	vld [tilespmem:s11+$0xF0];
	s6 =	sadd.s32 $0x4, s6;
	[tilespmem:s20+$0x90] =	vst v5;
	v0 =	vmul.f32 $1.131370830e+01, v0  }
0x184: {  	v5 =	vld [tilespmem:s11+$0xFFFFFF10];
	p0 =	slt.u32 s6, $0x7C;
	[tilespmem:s20+$0xA0] =	vst v6;
	v1 =	vmul.f32 $1.131370830e+01, v1  }
0x185: {  	v6 =	vld [tilespmem:s11+$0xFFFFFF20];
	[tilespmem:s20+$0xB0] =	vst v0;
	v0 =	vmul.f32 $1.131370830e+01, v2  }
0x186: {  	v2 =	vld [tilespmem:s11+$0xFFFFFF30];
	[tilespmem:s20+$0xC0] =	vst v1;
	v1 =	vmul.f32 $1.131370830e+01, v3  }
0x187: {  	v3 =	vld [tilespmem:s11+$0xFFFFFF40];
	v4 =	vmul.f32 $1.131370830e+01, v4;
	[tilespmem:s20+$0xD0] =	vst v0  }
0x188: {  	v0 =	vld [tilespmem:s11+$0xFFFFFF50];
	v7 =	vmul.f32 $1.131370830e+01, v7;
	[tilespmem:s20+$0xE0] =	vst v1  }
0x189: {  	v1 =	vmul.f32 $1.131370830e+01, v5;
	v5 =	vld [tilespmem:s11+$0xFFFFFF60];
	[tilespmem:s20+$0xFFFFFF00] =	vst v4;
	s20 =	smov.u32 s11  }
0x18a: {  	v4 =	vmul.f32 $1.131370830e+01, v6;
	v6 =	vld [tilespmem:s11+$0xFFFFFF70];
	[tilespmem:s11+$0xF0] =	vst v7  }
0x18b: {  	[tilespmem:s11+$0xFFFFFF10] =	vst v1;
	v1 =	vmul.f32 $1.131370830e+01, v2;
	v2 =	vld [tilespmem:s11+$0xFFFFFF80]  }
0x18c: {  	[tilespmem:s11+$0xFFFFFF20] =	vst v4;
	v3 =	vmul.f32 $1.131370830e+01, v3;
	v4 =	vld [tilespmem:s11+$0xFFFFFF90]  }
0x18d: {  	[tilespmem:s11+$0xFFFFFF30] =	vst v1;
	v0 =	vmul.f32 $1.131370830e+01, v0;
	v1 =	vld [tilespmem:s11+$0xFFFFFFA0]  }
0x18e: {  	[tilespmem:s11+$0xFFFFFF40] =	vst v3;
	v3 =	vmul.f32 $1.131370830e+01, v5;
	v5 =	vld [tilespmem:s11+$0xFFFFFFB0]  }
0x18f: {  	[tilespmem:s11+$0xFFFFFF50] =	vst v0;
	v0 =	vmul.f32 $1.131370830e+01, v6;
	v6 =	vld [tilespmem:s11+$0xFFFFFFC0]  }
0x190: {  	[tilespmem:s11+$0xFFFFFF60] =	vst v3;
	v2 =	vmul.f32 $1.131370830e+01, v2;
	v3 =	vld [tilespmem:s11+$0xFFFFFFD0]  }
0x191: {  	[tilespmem:s11+$0xFFFFFF70] =	vst v0;
	v0 =	vmul.f32 $1.131370830e+01, v4;
	v4 =	vld [tilespmem:s11+$0xFFFFFFE0]  }
0x192: {  	[tilespmem:s11+$0xFFFFFF80] =	vst v2;
	v1 =	vmul.f32 $1.131370830e+01, v1;
	v2 =	vld [tilespmem:s11+$0xFFFFFFF0]  }
0x193: {  	[tilespmem:s11+$0xFFFFFF90] =	vst v0;
	v0 =	vmul.f32 $1.131370830e+01, v5;
	v5 =	vld [tilespmem:s11+$0x0]  }
0x194: {  	[tilespmem:s11+$0xFFFFFFA0] =	vst v1;
	v1 =	vmul.f32 $1.131370830e+01, v6;
	v6 =	vld [tilespmem:s11+$0x10]  }
0x195: {  	[tilespmem:s11+$0xFFFFFFB0] =	vst v0;
	v0 =	vmul.f32 $1.131370830e+01, v3;
	v3 =	vld [tilespmem:s11+$0x20]  }
0x196: {  	[tilespmem:s11+$0xFFFFFFC0] =	vst v1;
	v1 =	vmul.f32 $1.131370830e+01, v4;
	v4 =	vld [tilespmem:s11+$0x30]  }
0x197: {  	[tilespmem:s11+$0xFFFFFFD0] =	vst v0;
	v0 =	vmul.f32 $1.131370830e+01, v2;
	v2 =	vld [tilespmem:s11+$0x40]  }
0x198: {  	[tilespmem:s11+$0xFFFFFFE0] =	vst v1;
	v1 =	vmul.f32 $1.131370830e+01, v5;
	v5 =	vld [tilespmem:s11+$0x50]  }
0x199: {  	[tilespmem:s11+$0xFFFFFFF0] =	vst v0;
	v0 =	vmul.f32 $1.131370830e+01, v6;
	v6 =	vld [tilespmem:s11+$0x60]  }
0x19a: {  	[tilespmem:s11+$0x0] =	vst v1;
	v1 =	vmul.f32 $1.131370830e+01, v3;
	v3 =	vld [tilespmem:s11+$0x70]  }
0x19b: {  	[tilespmem:s11+$0x10] =	vst v0;
	v0 =	vmul.f32 $1.131370830e+01, v4;
	v4 =	vld [tilespmem:s11+$0x80]  }
0x19c: {  	[tilespmem:s11+$0x20] =	vst v1;
	v1 =	vmul.f32 $1.131370830e+01, v2;
	v7 =	vld [tilespmem:s11+$0x90]  }
0x19d: {  	[tilespmem:s11+$0x30] =	vst v0;
	v2 =	vmul.f32 $1.131370830e+01, v5;
	v8 =	vld [tilespmem:s11+$0xA0]  }
.Ltmp6:
0x19e: {  	[tilespmem:s11+$0x40] =	vst v1;
	v5 =	vmul.f32 $1.131370830e+01, v6;
	v0 =	vld [tilespmem:s11+$0xB0];
	(pc) =	sbr.rel @p0 .LBB2_11-.Ltmp6, $4  }
0x19f: {  	[tilespmem:s11+$0x50] =	vst v2;
	v3 =	vmul.f32 $1.131370830e+01, v3;
	v1 =	vld [tilespmem:s11+$0xC0]  }
0x1a0: {  	[tilespmem:s11+$0x60] =	vst v5;
	v6 =	vmul.f32 $1.131370830e+01, v4;
	v2 =	vld [tilespmem:s11+$0xD0]  }
0x1a1: {  	[tilespmem:s11+$0x70] =	vst v3;
	v5 =	vmul.f32 $1.131370830e+01, v7;
	v3 =	vld [tilespmem:s11+$0xE0]  }
0x1a2: {  	s11 =	sadd.s32 $0x200, s11;
	v4 =	vld [tilespmem:s20+$0xFFFFFF00];
	[tilespmem:s20+$0x80] =	vst v6;
	v6 =	vmul.f32 $1.131370830e+01, v8  }
0x1a3: {  	[tilespmem:s20+$0x90] =	vst v5;
	v0 =	vmul.f32 $1.131370830e+01, v0  }
0x1a4: {  	[tilespmem:s20+$0xA0] =	vst v6;
	v1 =	vmul.f32 $1.131370830e+01, v1  }
0x1a5: {  	[tilespmem:s20+$0xB0] =	vst v0;
	v61 =	vmul.f32 $1.131370830e+01, v2  }
0x1a6: {  	s6 =	sadd.s32 s18, s10;
	[tilespmem:s20+$0xC0] =	vst v1;
	v62 =	vmul.f32 $1.131370830e+01, v3  }
0x1a7: {  	s6 =	sshll.u32 s6, $0xB;
	v63 =	vmul.f32 $1.131370830e+01, v4;
	[tilespmem:s20+$0xD0] =	vst v61  }
0x1a8: {  	p0 =	seq.s32 s16, $0x27;
	s6 =	sand.u32 $0x1FFFF800, s6;
	[tilespmem:s20+$0xE0] =	vst v62  }
.Ltmp7:
0x1a9: {  	s6 =	sadd.s32 s3, s6;
	[tilespmem:s20+$0xFFFFFF00] =	vst v63;
	(pc) =	sbr.rel @p0 .LBB2_14-.Ltmp7, $4  }
0x1aa: {  	[hbm4b:s6+s4] =	stream.linear.scatter [tilespmem:s21], [sflag:$0xA], $0x4000, $0x38;
	[tilespmem:$0x1A400] =	vst v63  }
0x1ab: {  	_ =	swait.ge [sflag:s28], $0x4000  }
0x1ac: {  	[sflag:s28] =	ssyncset.done $0x0  }
0x1ad: {  	[sflag:s28] =	ssyncadd.s32 $0xFFFFC000  }
0x1ae: {  	s6 =	smul.u32 $0xA00, s16;
	_ =	sdelay $0x1  }
0x1af: {  	s6 =	sshra.s32 s6, $0x2  }
0x1b0: {  	s11 =	sadd.s32 $0x280, s6  }
0x1b1: {  	[tilespmem:s14], [sflag:$0x1] =	stream.indirect.gather [hbm4b:s2+s13], $0x80, s11, s13, $0xb8;
	[tilespmem:$0x1A400] =	vst v63  }
0x1b2: {  	_ =	swait.ge [sflag:s29], $0x4000  }
0x1b3: {  	[sflag:s29] =	ssyncset.done $0x0  }
0x1b4: {  	s20 =	sadd.s32 $0x300, s6;
	[sflag:s29] =	ssyncadd.s32 $0xFFFFC000  }
0x1b5: {  	[tilespmem:s15], [sflag:$0x2] =	stream.indirect.gather [hbm4b:s2+s13], $0x80, s20, s13, $0xb8;
	[tilespmem:$0x1A400] =	vst v63  }
0x1b6: {  	_ =	swait.ge [sflag:s30], $0x4000  }
0x1b7: {  	[sflag:s30] =	ssyncset.done $0x0  }
0x1b8: {  	s18 =	sadd.s32 $0x380, s6;
	[sflag:s30] =	ssyncadd.s32 $0xFFFFC000  }
0x1b9: {  	[tilespmem:s17], [sflag:$0x3] =	stream.indirect.gather [hbm4b:s2+s13], $0x80, s18, s13, $0xb8;
	[tilespmem:$0x1A400] =	vst v63  }
0x1ba: {  	_ =	swait.ge [sflag:s31], $0x4000  }
0x1bb: {  	[sflag:s31] =	ssyncset.done $0x0  }
0x1bc: {  	s20 =	sadd.s32 $0x400, s6;
	[sflag:s31] =	ssyncadd.s32 $0xFFFFC000  }
0x1bd: {  	[tilespmem:s19], [sflag:$0x4] =	stream.indirect.gather [hbm4b:s2+s13], $0x80, s20, s13, $0xb8;
	[tilespmem:$0x1A400] =	vst v63  }
.Ltmp8:
0x1be: {  	_ = 	snop;
	(pc) =	sbr.rel .LBB2_2-.Ltmp8, $4  }
0x1bf: {  	_ =	swait.ge [sflag:s1], $0x4000  }
0x1c0: {  	[sflag:s1] =	ssyncset.done $0x0  }
0x1c1: {  	s16 =	sadd.s32 $0x1, s16;
	s6 =	sadd.s32 $0x480, s6;
	[sflag:s1] =	ssyncadd.s32 $0xFFFFC000  }
0x1c2: {  	[tilespmem:s21], [sflag:$0x5] =	stream.indirect.gather [hbm4b:s2+s13], $0x80, s6, s13, $0xb8;
	[tilespmem:$0x1A400] =	vst v63  }
.LBB2_15:
0x1c3: {  	_ =	sfence.sel $0x180000  }
0x1c4: {  	[bflag:$0x0] =	sbarrier.arrive $0xFFFF  }
0x1c5: {  	_ =	strace $0x90000047  }
0x1c6: {  	s0 =	stileid.u32;
	[bflag:$0x2] =	sbarrier.arrive $0xFFFF  }
0x1c7: {  	p0 =	sne.s32 s0, $0x0;
	s0 =	rddreg [dreg:$0x3]  }
0x1c8: {  	s0 =	sadd.s32 @!p0 $0x100000, s0  }
0x1c9: {  	[sflag:s0] =	ssyncadd.tile.s32 @!p0 $0x1;
	_ =	shalt  }
.Lfunc_end2:
_tile_overlayer_lowered:
.L_overlay_start_2:
0x1ca: {  	(tag) =	ssettag $0x2  }
0x1cb: {  	s0 =	rddreg [dreg:$0x0];
	s2 =	stileid.u32  }
0x1cc: {  	s1 =	rddreg [dreg:$0x1];
	p0 =	sne.s32 s2, $0x0  }
0x1cd: {  	s3 =	rddreg [dreg:$0x2];
	[bflag:$0x3] =	sbarrier.arrive $0xFFFF;
	s2 =	simm.s32 @!p0 $0x1C0C  }
0x1ce: {  	[timem:s3], [sflag:s2] =	dma.local @!p0 [hbm:s0], s1  }
0x1cf: {  	s0 =	simm.s32 @!p0 $0xC  }
0x1d0: {  	_ =	swait.ge @!p0 [sflag:s0], s1  }
0x1d1: {  	s1 =	ssub.s32 @!p0 $0x0, s1;
	[sflag:s0] =	ssyncset.done @!p0 $0x0  }
0x1d2: {  	[sflag:s0] =	ssyncadd.s32 @!p0 s1  }
0x1d3: {  	[bflag:$0x3] =	sbarrier.arrive $0xFFFF  }
0x1d4: {  	_ =	shalt  }

</sc_bundles>
